<compile_context>
chip_gen: v7x
topology: tpu7x:2x2x1
jax: 0.10.2.dev20260603
libtpu: 0.0.44.dev20260713+nightly
codegen_flags: <defaults>
</compile_context>

<pallas_src>
import functools

import jax
import jax.numpy as jnp
from jax import lax
from jax.experimental import pallas as pl
from jax.experimental.pallas import tpu as pltpu
from jax.experimental.pallas import tpu_sc as plsc


_BT = 2048


def _argmin_body(with_stats, *refs):
    if with_stats:
        cbt_ref, u_ref, z_ref, idx_ref, ent_ref, ppl_ref, cbn_ref = refs
    else:
        cbt_ref, z_ref, idx_ref, cbn_ref = refs
    i = pl.program_id(0)

    @pl.when(i == 0)
    def _prep():
        cbt = cbt_ref[...]
        nrm = jnp.sqrt(jnp.sum(cbt * cbt, axis=0, keepdims=True))
        cbn_ref[...] = cbt / jnp.maximum(nrm, 1e-12)
        if with_stats:
            u = u_ref[...]
            kk = u.shape[1]
            s = jnp.sum(u)
            prob = jnp.where(s > 0, u / (s + 1e-10),
                             jnp.full_like(u, 1.0 / kk))
            ent = -jnp.sum(prob * jnp.log(prob + 1e-10)).reshape(1, 1)
            ent_ref[...] = ent
            ppl_ref[...] = jnp.exp(ent)

    zb = z_ref[...]
    nrm = jnp.sqrt(jnp.sum(zb * zb, axis=1, keepdims=True))
    zn = zb / jnp.maximum(nrm, 1e-12)
    cos = lax.dot_general(zn, cbn_ref[...],
                          (((1,), (0,)), ((), ())),
                          preferred_element_type=jnp.float32)
    d = 1.0 - cos
    idx = jnp.argmin(d, axis=1)
    idx_ref[...] = idx.astype(jnp.int32).reshape(1, 1, _BT)


def _argmin(z_flat, cbt, nbh, off, usage_row=None):
    dim = z_flat.shape[1]
    k = cbt.shape[1]
    with_stats = usage_row is not None
    in_specs = [pl.BlockSpec((dim, k), lambda i: (0, 0))]
    operands = [cbt]
    if with_stats:
        in_specs.append(pl.BlockSpec((1, k), lambda i: (0, 0)))
        operands.append(usage_row)
    in_specs.append(pl.BlockSpec((_BT, dim), lambda i: (i + off, 0)))
    operands.append(z_flat)
    out_specs = [pl.BlockSpec((1, 1, _BT), lambda i: (i, 0, 0))]
    out_shape = [jax.ShapeDtypeStruct((nbh, 1, _BT), jnp.int32)]
    if with_stats:
        out_specs += [pl.BlockSpec((1, 1), lambda i: (0, 0))] * 2
        out_shape += [jax.ShapeDtypeStruct((1, 1), jnp.float32)] * 2
    res = pl.pallas_call(
        functools.partial(_argmin_body, with_stats),
        grid=(nbh,),
        in_specs=in_specs,
        out_specs=out_specs,
        out_shape=out_shape,
        scratch_shapes=[pltpu.VMEM((dim, k), jnp.float32)],
    )(*operands)
    if with_stats:
        return res[0].reshape(nbh * _BT), res[1], res[2]
    return res[0].reshape(nbh * _BT)


_CH = 128


def _make_gather(n, k, dim):
    info = plsc.get_sparse_core_info()
    num_cores = info.num_cores
    nw = num_cores * info.num_subcores
    b_per_w = n // nw
    n_ch = b_per_w // _CH
    mesh = plsc.VectorSubcoreMesh(core_axis_name="c", subcore_axis_name="s")

    @functools.partial(
        pl.kernel, mesh=mesh,
        out_type=jax.ShapeDtypeStruct((n, dim), jnp.float32),
        scratch_types=[
            pltpu.VMEM((_CH,), jnp.int32),
            pltpu.VMEM((_CH,), jnp.int32),
            pltpu.VMEM((_CH, dim), jnp.float32),
            pltpu.VMEM((_CH, dim), jnp.float32),
            pltpu.SemaphoreType.DMA,
            pltpu.SemaphoreType.DMA,
            pltpu.SemaphoreType.DMA,
            pltpu.SemaphoreType.DMA,
        ],
    )
    def _gather(table_hbm, idx_hbm, out_hbm,
                idx_v0, idx_v1, rows_v0, rows_v1, gs0, gs1, ws0, ws1):
        wid = lax.axis_index("s") * num_cores + lax.axis_index("c")
        base = wid * b_per_w
        idxv, rowsv = [idx_v0, idx_v1], [rows_v0, rows_v1]
        gsem, wsem = [gs0, gs1], [ws0, ws1]
        gops = [None, None]
        wops = [None, None]
        for c in range(n_ch):
            s = c & 1
            if wops[s] is not None:
                wops[s].wait()
            pltpu.sync_copy(idx_hbm.at[pl.ds(base + c * _CH, _CH)], idxv[s])
            gops[s] = pltpu.async_copy(table_hbm.at[idxv[s]], rowsv[s], gsem[s])
            if c > 0:
                p = (c - 1) & 1
                gops[p].wait()
                wops[p] = pltpu.async_copy(
                    rowsv[p], out_hbm.at[pl.ds(base + (c - 1) * _CH, _CH)],
                    wsem[p])
        p = (n_ch - 1) & 1
        gops[p].wait()
        wops[p] = pltpu.async_copy(
            rowsv[p], out_hbm.at[pl.ds(base + (n_ch - 1) * _CH, _CH)], wsem[p])
        for s in range(2):
            if wops[s] is not None:
                wops[s].wait()

    return _gather


def _commit_body(scale, z_ref, e_ref, acc_ref):
    i = pl.program_id(0)

    @pl.when(i == 0)
    def _init():
        acc_ref[...] = jnp.zeros((1, 1), jnp.float32)

    dd = e_ref[...] - z_ref[...]
    acc_ref[...] += jnp.sum(dd * dd).reshape(1, 1)

    @pl.when(i == pl.num_programs(0) - 1)
    def _fin():
        acc_ref[...] = acc_ref[...] * scale


def _commit(z_flat, emb_flat):
    n, dim = z_flat.shape
    nb = n // _BT
    acc = pl.pallas_call(
        functools.partial(_commit_body, 0.5 / (n * dim)),
        grid=(nb,),
        in_specs=[
            pl.BlockSpec((_BT, dim), lambda i: (i, 0)),
            pl.BlockSpec((_BT, dim), lambda i: (i, 0)),
        ],
        out_specs=pl.BlockSpec((1, 1), lambda i: (0, 0)),
        out_shape=jax.ShapeDtypeStruct((1, 1), jnp.float32),
    )(z_flat, emb_flat)
    return acc.reshape(())


def kernel(z, codebook, codebook_usage):
    b, t, dim = z.shape
    k = codebook.shape[0]
    z_flat = z.reshape(-1, dim)
    n = z_flat.shape[0]
    nb = n // _BT
    cbt = codebook.T

    idx_flat, ent, ppl = _argmin(z_flat, cbt, nb, 0, codebook_usage.reshape(1, k))
    emb_flat = _make_gather(n, k, dim)(codebook, idx_flat)
    commitment = _commit(z_flat, emb_flat)

    emb = emb_flat.reshape(b, t, dim)
    return (emb, emb, idx_flat.reshape(b, t), commitment,
            ppl.reshape(()), ent.reshape(()))

# --- scband reference (transcript-rebuilt; emitter-appended) ---
"""Pipeline reference for scband-rvqquantizer-34488587387009 (READ-ONLY COPY).

The authoritative reference and input builder live on the scoring server;
editing this copy changes nothing except your own understanding.
"""

import jax, jax.numpy as jnp
import numpy as np


def setup_inputs(seed: int = 0) -> dict:
    key = jax.random.key(seed)
    k1, k2 = jax.random.split(key)
    z = jax.random.normal(k1, (16, 1024, 256), dtype=jnp.float32)
    codebook = jax.random.normal(k2, (4096, 256), dtype=jnp.float32)
    codebook_usage = jnp.zeros((4096,), dtype=jnp.float32)
    return {"z": z, "codebook": codebook, "codebook_usage": codebook_usage}


def reference(z, codebook, codebook_usage):
    # Eval-mode (training=False) forward path of RVQQuantizer.
    B, T, dim = z.shape
    K = codebook.shape[0]
    # _compute_distances: cosine distance on L2-normalized vectors
    z_flat = z.reshape(-1, dim)
    z_norm = z_flat / jnp.maximum(jnp.linalg.norm(z_flat, axis=-1, keepdims=True), 1e-12)
    cb_norm = codebook / jnp.maximum(jnp.linalg.norm(codebook, axis=-1, keepdims=True), 1e-12)
    cosine_sim = z_norm @ cb_norm.T
    distances = (1.0 - cosine_sim).reshape(B, T, K)
    # eval path: nearest-code lookup
    hard_indices = jnp.argmin(distances, axis=-1)
    embedding = jnp.take(codebook, hard_indices, axis=0)
    quantized = embedding
    # straight-through estimator
    z_q = z + jax.lax.stop_gradient(quantized - z)
    # commitment loss: mse(z_q.detach(), z) * 0.5
    commitment = jnp.mean((jax.lax.stop_gradient(z_q) - z) ** 2) * 0.5
    # usage entropy / perplexity from codebook_usage buffer
    usage_sum = codebook_usage.sum()
    usage_prob = jnp.where(usage_sum > 0,
                           codebook_usage / (usage_sum + 1e-10),
                           jnp.full_like(codebook_usage, 1.0 / K))
    entropy = -(usage_prob * jnp.log(usage_prob + 1e-10)).sum()
    perplexity = jnp.exp(entropy)
    return (z_q, embedding, hard_indices, commitment, perplexity, entropy)

if __name__ == "__main__":
    import jax
    _d = setup_inputs()
    print(jax.jit(kernel)(*tuple(_d.values())))

</pallas_src>

<mosaic_0001>
#map = affine_map<(d0, d1) -> (0, 0)>
#map1 = affine_map<(d0, d1) -> (0)>
module attributes {stable_mosaic.version = 14 : i64} {
  func.func @_gather(%arg0: i32, %arg1: i32, %arg2: memref<4096x256xf32, #tpu.memory_space<hbm>>, %arg3: memref<16384xi32, #tpu.memory_space<hbm>>, %arg4: memref<16384x256xf32, #tpu.memory_space<hbm>>, %arg5: memref<128xi32, #tpu.memory_space<vmem>>, %arg6: memref<128xi32, #tpu.memory_space<vmem>>, %arg7: memref<128x256xf32, #tpu.memory_space<vmem>>, %arg8: memref<128x256xf32, #tpu.memory_space<vmem>>, %arg9: memref<!tpu.dma_semaphore, #tpu.memory_space<semaphore_mem>>, %arg10: memref<!tpu.dma_semaphore, #tpu.memory_space<semaphore_mem>>, %arg11: memref<!tpu.dma_semaphore, #tpu.memory_space<semaphore_mem>>, %arg12: memref<!tpu.dma_semaphore, #tpu.memory_space<semaphore_mem>>) attributes {dimension_semantics = [#tpu.dimension_semantics<core_parallel>, #tpu.dimension_semantics<subcore_parallel>], iteration_bounds = array<i64: 2, 16>, scalar_prefetch = 0 : i64, scratch_operands = 8 : i64, tpu.core_type = #tpu.core_type<sc_vector_subcore>, window_params = [{transform_indices = #map}, {transform_indices = #map1}, {transform_indices = #map}]} {
    %mul3A = arith.constant 2 : i32
    %mul3A_0 = arith.muli %arg1, %mul3A : i32
    %add3A = arith.addi %mul3A_0, %arg0 : i32
    %mul3A_1 = arith.constant 512 : i32
    %mul3A_2 = arith.muli %add3A, %mul3A_1 : i32
    %add3A_3 = arith.constant 0 : i32
    %add3A_4 = arith.addi %mul3A_2, %add3A_3 : i32
    "tpu.region"() ({
      %run_scoped3A = tpu.sem_alloc : memref<!tpu.dma_semaphore, #tpu.memory_space<semaphore_mem>>
      %dma_start3A_73 = tpu.memref_slice %arg3[%add3A_4] : memref<16384xi32, #tpu.memory_space<hbm>> -> memref<128xi32, #tpu.memory_space<hbm>>
      %dma_start3A_74 = tpu.memref_slice %arg3[%add3A_4] : memref<16384xi32, #tpu.memory_space<hbm>> -> memref<128xi32, #tpu.memory_space<hbm>>
      tpu.enqueue_dma source(%dma_start3A_74 : memref<128xi32, #tpu.memory_space<hbm>>) target(%arg5 : memref<128xi32, #tpu.memory_space<vmem>>) target_semaphore(%run_scoped3A : memref<!tpu.dma_semaphore, #tpu.memory_space<semaphore_mem>>)
      %dma_wait3A_75 = tpu.memref_slice %arg3[%add3A_4] : memref<16384xi32, #tpu.memory_space<hbm>> -> memref<128xi32, #tpu.memory_space<hbm>>
      %dma_wait3A_76 = tpu.memref_slice %arg3[%add3A_4] : memref<16384xi32, #tpu.memory_space<hbm>> -> memref<128xi32, #tpu.memory_space<hbm>>
      tpu.wait_dma2 semaphore(%run_scoped3A : memref<!tpu.dma_semaphore, #tpu.memory_space<semaphore_mem>>) src(%dma_wait3A_76 : memref<128xi32, #tpu.memory_space<hbm>>) dst(%arg5 : memref<128xi32, #tpu.memory_space<vmem>>)
      tpu.yield
    }) : () -> ()
    %dma_start3A = arith.constant 0 : i32
    %dma_start3A_5 = arith.constant 0 : i32
    %dma_start3A_6 = tpu.memref_slice %arg2[%dma_start3A, %dma_start3A_5] : memref<4096x256xf32, #tpu.memory_space<hbm>> -> memref<4096x256xf32, #tpu.memory_space<hbm>>
    tpu.enqueue_indirect_dma source(%dma_start3A_6 : memref<4096x256xf32, #tpu.memory_space<hbm>>) target(%arg7 : memref<128x256xf32, #tpu.memory_space<vmem>>) offsets(%arg5 : memref<128xi32, #tpu.memory_space<vmem>>) semaphore(%arg9 : memref<!tpu.dma_semaphore, #tpu.memory_space<semaphore_mem>>)
    %add3A_7 = arith.constant 128 : i32
    %add3A_8 = arith.addi %mul3A_2, %add3A_7 : i32
    "tpu.region"() ({
      %run_scoped3A = tpu.sem_alloc : memref<!tpu.dma_semaphore, #tpu.memory_space<semaphore_mem>>
      %dma_start3A_73 = tpu.memref_slice %arg3[%add3A_8] : memref<16384xi32, #tpu.memory_space<hbm>> -> memref<128xi32, #tpu.memory_space<hbm>>
      %dma_start3A_74 = tpu.memref_slice %arg3[%add3A_8] : memref<16384xi32, #tpu.memory_space<hbm>> -> memref<128xi32, #tpu.memory_space<hbm>>
      tpu.enqueue_dma source(%dma_start3A_74 : memref<128xi32, #tpu.memory_space<hbm>>) target(%arg6 : memref<128xi32, #tpu.memory_space<vmem>>) target_semaphore(%run_scoped3A : memref<!tpu.dma_semaphore, #tpu.memory_space<semaphore_mem>>)
      %dma_wait3A_75 = tpu.memref_slice %arg3[%add3A_8] : memref<16384xi32, #tpu.memory_space<hbm>> -> memref<128xi32, #tpu.memory_space<hbm>>
      %dma_wait3A_76 = tpu.memref_slice %arg3[%add3A_8] : memref<16384xi32, #tpu.memory_space<hbm>> -> memref<128xi32, #tpu.memory_space<hbm>>
      tpu.wait_dma2 semaphore(%run_scoped3A : memref<!tpu.dma_semaphore, #tpu.memory_space<semaphore_mem>>) src(%dma_wait3A_76 : memref<128xi32, #tpu.memory_space<hbm>>) dst(%arg6 : memref<128xi32, #tpu.memory_space<vmem>>)
      tpu.yield
    }) : () -> ()
    %dma_start3A_9 = arith.constant 0 : i32
    %dma_start3A_10 = arith.constant 0 : i32
    %dma_start3A_11 = tpu.memref_slice %arg2[%dma_start3A_9, %dma_start3A_10] : memref<4096x256xf32, #tpu.memory_space<hbm>> -> memref<4096x256xf32, #tpu.memory_space<hbm>>
    tpu.enqueue_indirect_dma source(%dma_start3A_11 : memref<4096x256xf32, #tpu.memory_space<hbm>>) target(%arg8 : memref<128x256xf32, #tpu.memory_space<vmem>>) offsets(%arg6 : memref<128xi32, #tpu.memory_space<vmem>>) semaphore(%arg10 : memref<!tpu.dma_semaphore, #tpu.memory_space<semaphore_mem>>)
    %dma_wait3A = arith.constant 0 : i32
    %dma_wait3A_12 = arith.constant 0 : i32
    %dma_wait3A_13 = tpu.memref_slice %arg2[%dma_wait3A, %dma_wait3A_12] : memref<4096x256xf32, #tpu.memory_space<hbm>> -> memref<4096x256xf32, #tpu.memory_space<hbm>>
    tpu.wait_indirect_dma semaphore(%arg9 : memref<!tpu.dma_semaphore, #tpu.memory_space<semaphore_mem>>) src(%dma_wait3A_13 : memref<4096x256xf32, #tpu.memory_space<hbm>>) dst(%arg7 : memref<128x256xf32, #tpu.memory_space<vmem>>)
    %add3A_14 = arith.constant 0 : i32
    %add3A_15 = arith.addi %mul3A_2, %add3A_14 : i32
    %dma_start3A_16 = arith.constant 0 : i32
    %dma_start3A_17 = tpu.memref_slice %arg4[%add3A_15, %dma_start3A_16] : memref<16384x256xf32, #tpu.memory_space<hbm>> -> memref<128x256xf32, #tpu.memory_space<hbm>>
    %dma_start3A_18 = arith.constant 0 : i32
    %dma_start3A_19 = tpu.memref_slice %arg4[%add3A_15, %dma_start3A_18] : memref<16384x256xf32, #tpu.memory_space<hbm>> -> memref<128x256xf32, #tpu.memory_space<hbm>>
    tpu.enqueue_dma source(%arg7 : memref<128x256xf32, #tpu.memory_space<vmem>>) target(%dma_start3A_19 : memref<128x256xf32, #tpu.memory_space<hbm>>) target_semaphore(%arg11 : memref<!tpu.dma_semaphore, #tpu.memory_space<semaphore_mem>>)
    %dma_wait3A_20 = arith.constant 0 : i32
    %dma_wait3A_21 = tpu.memref_slice %arg4[%add3A_15, %dma_wait3A_20] : memref<16384x256xf32, #tpu.memory_space<hbm>> -> memref<128x256xf32, #tpu.memory_space<hbm>>
    %dma_wait3A_22 = arith.constant 0 : i32
    %dma_wait3A_23 = tpu.memref_slice %arg4[%add3A_15, %dma_wait3A_22] : memref<16384x256xf32, #tpu.memory_space<hbm>> -> memref<128x256xf32, #tpu.memory_space<hbm>>
    tpu.wait_dma2 semaphore(%arg11 : memref<!tpu.dma_semaphore, #tpu.memory_space<semaphore_mem>>) src(%arg7 : memref<128x256xf32, #tpu.memory_space<vmem>>) dst(%dma_wait3A_23 : memref<128x256xf32, #tpu.memory_space<hbm>>)
    %add3A_24 = arith.constant 256 : i32
    %add3A_25 = arith.addi %mul3A_2, %add3A_24 : i32
    "tpu.region"() ({
      %run_scoped3A = tpu.sem_alloc : memref<!tpu.dma_semaphore, #tpu.memory_space<semaphore_mem>>
      %dma_start3A_73 = tpu.memref_slice %arg3[%add3A_25] : memref<16384xi32, #tpu.memory_space<hbm>> -> memref<128xi32, #tpu.memory_space<hbm>>
      %dma_start3A_74 = tpu.memref_slice %arg3[%add3A_25] : memref<16384xi32, #tpu.memory_space<hbm>> -> memref<128xi32, #tpu.memory_space<hbm>>
      tpu.enqueue_dma source(%dma_start3A_74 : memref<128xi32, #tpu.memory_space<hbm>>) target(%arg5 : memref<128xi32, #tpu.memory_space<vmem>>) target_semaphore(%run_scoped3A : memref<!tpu.dma_semaphore, #tpu.memory_space<semaphore_mem>>)
      %dma_wait3A_75 = tpu.memref_slice %arg3[%add3A_25] : memref<16384xi32, #tpu.memory_space<hbm>> -> memref<128xi32, #tpu.memory_space<hbm>>
      %dma_wait3A_76 = tpu.memref_slice %arg3[%add3A_25] : memref<16384xi32, #tpu.memory_space<hbm>> -> memref<128xi32, #tpu.memory_space<hbm>>
      tpu.wait_dma2 semaphore(%run_scoped3A : memref<!tpu.dma_semaphore, #tpu.memory_space<semaphore_mem>>) src(%dma_wait3A_76 : memref<128xi32, #tpu.memory_space<hbm>>) dst(%arg5 : memref<128xi32, #tpu.memory_space<vmem>>)
      tpu.yield
    }) : () -> ()
    %dma_start3A_26 = arith.constant 0 : i32
    %dma_start3A_27 = arith.constant 0 : i32
    %dma_start3A_28 = tpu.memref_slice %arg2[%dma_start3A_26, %dma_start3A_27] : memref<4096x256xf32, #tpu.memory_space<hbm>> -> memref<4096x256xf32, #tpu.memory_space<hbm>>
    tpu.enqueue_indirect_dma source(%dma_start3A_28 : memref<4096x256xf32, #tpu.memory_space<hbm>>) target(%arg7 : memref<128x256xf32, #tpu.memory_space<vmem>>) offsets(%arg5 : memref<128xi32, #tpu.memory_space<vmem>>) semaphore(%arg9 : memref<!tpu.dma_semaphore, #tpu.memory_space<semaphore_mem>>)
    %dma_wait3A_29 = arith.constant 0 : i32
    %dma_wait3A_30 = arith.constant 0 : i32
    %dma_wait3A_31 = tpu.memref_slice %arg2[%dma_wait3A_29, %dma_wait3A_30] : memref<4096x256xf32, #tpu.memory_space<hbm>> -> memref<4096x256xf32, #tpu.memory_space<hbm>>
    tpu.wait_indirect_dma semaphore(%arg10 : memref<!tpu.dma_semaphore, #tpu.memory_space<semaphore_mem>>) src(%dma_wait3A_31 : memref<4096x256xf32, #tpu.memory_space<hbm>>) dst(%arg8 : memref<128x256xf32, #tpu.memory_space<vmem>>)
    %add3A_32 = arith.constant 128 : i32
    %add3A_33 = arith.addi %mul3A_2, %add3A_32 : i32
    %dma_start3A_34 = arith.constant 0 : i32
    %dma_start3A_35 = tpu.memref_slice %arg4[%add3A_33, %dma_start3A_34] : memref<16384x256xf32, #tpu.memory_space<hbm>> -> memref<128x256xf32, #tpu.memory_space<hbm>>
    %dma_start3A_36 = arith.constant 0 : i32
    %dma_start3A_37 = tpu.memref_slice %arg4[%add3A_33, %dma_start3A_36] : memref<16384x256xf32, #tpu.memory_space<hbm>> -> memref<128x256xf32, #tpu.memory_space<hbm>>
    tpu.enqueue_dma source(%arg8 : memref<128x256xf32, #tpu.memory_space<vmem>>) target(%dma_start3A_37 : memref<128x256xf32, #tpu.memory_space<hbm>>) target_semaphore(%arg12 : memref<!tpu.dma_semaphore, #tpu.memory_space<semaphore_mem>>)
    %dma_wait3A_38 = arith.constant 0 : i32
    %dma_wait3A_39 = tpu.memref_slice %arg4[%add3A_33, %dma_wait3A_38] : memref<16384x256xf32, #tpu.memory_space<hbm>> -> memref<128x256xf32, #tpu.memory_space<hbm>>
    %dma_wait3A_40 = arith.constant 0 : i32
    %dma_wait3A_41 = tpu.memref_slice %arg4[%add3A_33, %dma_wait3A_40] : memref<16384x256xf32, #tpu.memory_space<hbm>> -> memref<128x256xf32, #tpu.memory_space<hbm>>
    tpu.wait_dma2 semaphore(%arg12 : memref<!tpu.dma_semaphore, #tpu.memory_space<semaphore_mem>>) src(%arg8 : memref<128x256xf32, #tpu.memory_space<vmem>>) dst(%dma_wait3A_41 : memref<128x256xf32, #tpu.memory_space<hbm>>)
    %add3A_42 = arith.constant 384 : i32
    %add3A_43 = arith.addi %mul3A_2, %add3A_42 : i32
    "tpu.region"() ({
      %run_scoped3A = tpu.sem_alloc : memref<!tpu.dma_semaphore, #tpu.memory_space<semaphore_mem>>
      %dma_start3A_73 = tpu.memref_slice %arg3[%add3A_43] : memref<16384xi32, #tpu.memory_space<hbm>> -> memref<128xi32, #tpu.memory_space<hbm>>
      %dma_start3A_74 = tpu.memref_slice %arg3[%add3A_43] : memref<16384xi32, #tpu.memory_space<hbm>> -> memref<128xi32, #tpu.memory_space<hbm>>
      tpu.enqueue_dma source(%dma_start3A_74 : memref<128xi32, #tpu.memory_space<hbm>>) target(%arg6 : memref<128xi32, #tpu.memory_space<vmem>>) target_semaphore(%run_scoped3A : memref<!tpu.dma_semaphore, #tpu.memory_space<semaphore_mem>>)
      %dma_wait3A_75 = tpu.memref_slice %arg3[%add3A_43] : memref<16384xi32, #tpu.memory_space<hbm>> -> memref<128xi32, #tpu.memory_space<hbm>>
      %dma_wait3A_76 = tpu.memref_slice %arg3[%add3A_43] : memref<16384xi32, #tpu.memory_space<hbm>> -> memref<128xi32, #tpu.memory_space<hbm>>
      tpu.wait_dma2 semaphore(%run_scoped3A : memref<!tpu.dma_semaphore, #tpu.memory_space<semaphore_mem>>) src(%dma_wait3A_76 : memref<128xi32, #tpu.memory_space<hbm>>) dst(%arg6 : memref<128xi32, #tpu.memory_space<vmem>>)
      tpu.yield
    }) : () -> ()
    %dma_start3A_44 = arith.constant 0 : i32
    %dma_start3A_45 = arith.constant 0 : i32
    %dma_start3A_46 = tpu.memref_slice %arg2[%dma_start3A_44, %dma_start3A_45] : memref<4096x256xf32, #tpu.memory_space<hbm>> -> memref<4096x256xf32, #tpu.memory_space<hbm>>
    tpu.enqueue_indirect_dma source(%dma_start3A_46 : memref<4096x256xf32, #tpu.memory_space<hbm>>) target(%arg8 : memref<128x256xf32, #tpu.memory_space<vmem>>) offsets(%arg6 : memref<128xi32, #tpu.memory_space<vmem>>) semaphore(%arg10 : memref<!tpu.dma_semaphore, #tpu.memory_space<semaphore_mem>>)
    %dma_wait3A_47 = arith.constant 0 : i32
    %dma_wait3A_48 = arith.constant 0 : i32
    %dma_wait3A_49 = tpu.memref_slice %arg2[%dma_wait3A_47, %dma_wait3A_48] : memref<4096x256xf32, #tpu.memory_space<hbm>> -> memref<4096x256xf32, #tpu.memory_space<hbm>>
    tpu.wait_indirect_dma semaphore(%arg9 : memref<!tpu.dma_semaphore, #tpu.memory_space<semaphore_mem>>) src(%dma_wait3A_49 : memref<4096x256xf32, #tpu.memory_space<hbm>>) dst(%arg7 : memref<128x256xf32, #tpu.memory_space<vmem>>)
    %add3A_50 = arith.constant 256 : i32
    %add3A_51 = arith.addi %mul3A_2, %add3A_50 : i32
    %dma_start3A_52 = arith.constant 0 : i32
    %dma_start3A_53 = tpu.memref_slice %arg4[%add3A_51, %dma_start3A_52] : memref<16384x256xf32, #tpu.memory_space<hbm>> -> memref<128x256xf32, #tpu.memory_space<hbm>>
    %dma_start3A_54 = arith.constant 0 : i32
    %dma_start3A_55 = tpu.memref_slice %arg4[%add3A_51, %dma_start3A_54] : memref<16384x256xf32, #tpu.memory_space<hbm>> -> memref<128x256xf32, #tpu.memory_space<hbm>>
    tpu.enqueue_dma source(%arg7 : memref<128x256xf32, #tpu.memory_space<vmem>>) target(%dma_start3A_55 : memref<128x256xf32, #tpu.memory_space<hbm>>) target_semaphore(%arg11 : memref<!tpu.dma_semaphore, #tpu.memory_space<semaphore_mem>>)
    %dma_wait3A_56 = arith.constant 0 : i32
    %dma_wait3A_57 = arith.constant 0 : i32
    %dma_wait3A_58 = tpu.memref_slice %arg2[%dma_wait3A_56, %dma_wait3A_57] : memref<4096x256xf32, #tpu.memory_space<hbm>> -> memref<4096x256xf32, #tpu.memory_space<hbm>>
    tpu.wait_indirect_dma semaphore(%arg10 : memref<!tpu.dma_semaphore, #tpu.memory_space<semaphore_mem>>) src(%dma_wait3A_58 : memref<4096x256xf32, #tpu.memory_space<hbm>>) dst(%arg8 : memref<128x256xf32, #tpu.memory_space<vmem>>)
    %add3A_59 = arith.constant 384 : i32
    %add3A_60 = arith.addi %mul3A_2, %add3A_59 : i32
    %dma_start3A_61 = arith.constant 0 : i32
    %dma_start3A_62 = tpu.memref_slice %arg4[%add3A_60, %dma_start3A_61] : memref<16384x256xf32, #tpu.memory_space<hbm>> -> memref<128x256xf32, #tpu.memory_space<hbm>>
    %dma_start3A_63 = arith.constant 0 : i32
    %dma_start3A_64 = tpu.memref_slice %arg4[%add3A_60, %dma_start3A_63] : memref<16384x256xf32, #tpu.memory_space<hbm>> -> memref<128x256xf32, #tpu.memory_space<hbm>>
    tpu.enqueue_dma source(%arg8 : memref<128x256xf32, #tpu.memory_space<vmem>>) target(%dma_start3A_64 : memref<128x256xf32, #tpu.memory_space<hbm>>) target_semaphore(%arg12 : memref<!tpu.dma_semaphore, #tpu.memory_space<semaphore_mem>>)
    %dma_wait3A_65 = arith.constant 0 : i32
    %dma_wait3A_66 = tpu.memref_slice %arg4[%add3A_51, %dma_wait3A_65] : memref<16384x256xf32, #tpu.memory_space<hbm>> -> memref<128x256xf32, #tpu.memory_space<hbm>>
    %dma_wait3A_67 = arith.constant 0 : i32
    %dma_wait3A_68 = tpu.memref_slice %arg4[%add3A_51, %dma_wait3A_67] : memref<16384x256xf32, #tpu.memory_space<hbm>> -> memref<128x256xf32, #tpu.memory_space<hbm>>
    tpu.wait_dma2 semaphore(%arg11 : memref<!tpu.dma_semaphore, #tpu.memory_space<semaphore_mem>>) src(%arg7 : memref<128x256xf32, #tpu.memory_space<vmem>>) dst(%dma_wait3A_68 : memref<128x256xf32, #tpu.memory_space<hbm>>)
    %dma_wait3A_69 = arith.constant 0 : i32
    %dma_wait3A_70 = tpu.memref_slice %arg4[%add3A_60, %dma_wait3A_69] : memref<16384x256xf32, #tpu.memory_space<hbm>> -> memref<128x256xf32, #tpu.memory_space<hbm>>
    %dma_wait3A_71 = arith.constant 0 : i32
    %dma_wait3A_72 = tpu.memref_slice %arg4[%add3A_60, %dma_wait3A_71] : memref<16384x256xf32, #tpu.memory_space<hbm>> -> memref<128x256xf32, #tpu.memory_space<hbm>>
    tpu.wait_dma2 semaphore(%arg12 : memref<!tpu.dma_semaphore, #tpu.memory_space<semaphore_mem>>) src(%arg8 : memref<128x256xf32, #tpu.memory_space<vmem>>) dst(%dma_wait3A_72 : memref<128x256xf32, #tpu.memory_space<hbm>>)
    return
  }
}

module attributes {stable_mosaic.version = 14 : i64} {
  func.func @_argmin_body(%arg0: i32, %arg1: memref<256x4096xf32, #tpu.memory_space<vmem>>, %arg2: memref<1x4096xf32, #tpu.memory_space<vmem>>, %arg3: memref<2048x256xf32, #tpu.memory_space<vmem>>, %arg4: memref<1x1x2048xi32, #tpu.memory_space<vmem>>, %arg5: memref<1x1xf32, #tpu.memory_space<vmem>>, %arg6: memref<1x1xf32, #tpu.memory_space<vmem>>, %arg7: memref<256x4096xf32, #tpu.memory_space<vmem>>) attributes {dimension_semantics = [#tpu.dimension_semantics<arbitrary>], iteration_bounds = array<i64: 8>, scalar_prefetch = 0 : i64, scratch_operands = 1 : i64, tpu.core_type = #tpu.core_type<tc>, window_params = [{pipeline_mode = #tpu.pipeline_mode<synchronous>, transform_indices = @transform_0, window_bounds = array<i64: 256, 4096>}, {pipeline_mode = #tpu.pipeline_mode<synchronous>, transform_indices = @transform_1, window_bounds = array<i64: 1, 4096>}, {transform_indices = @transform_2, window_bounds = array<i64: 2048, 256>}, {transform_indices = @transform_3, window_bounds = array<i64: 1, 1, 2048>}, {pipeline_mode = #tpu.pipeline_mode<synchronous>, transform_indices = @transform_4, window_bounds = array<i64: 1, 1>}, {pipeline_mode = #tpu.pipeline_mode<synchronous>, transform_indices = @transform_5, window_bounds = array<i64: 1, 1>}]} {
    %eq3A = arith.constant 0 : i32
    %eq3A_0 = arith.cmpi eq, %arg0, %eq3A : i32
    %convert_element_type3A = arith.extui %eq3A_0 : i1 to i32
    %cond3A = arith.constant 0 : i32
    %cond3A_1 = arith.cmpi ne, %convert_element_type3A, %cond3A : i32
    scf.if %cond3A_1 {
      %get3A_17 = arith.constant 0 : index
      %get3A_18 = arith.constant 0 : index
      %get3A_19 = vector.load %arg1[%get3A_17, %get3A_18] : memref<256x4096xf32, #tpu.memory_space<vmem>>, vector<256x4096xf32>
      %mul3A_20 = arith.mulf %get3A_19, %get3A_19 : vector<256x4096xf32>
      %reduce_sum3A_21 = arith.constant dense<0.000000e+00> : vector<4096xf32>
      %reduce_sum3A_22 = vector.multi_reduction <add>, %mul3A_20, %reduce_sum3A_21 [0] : vector<256x4096xf32> to vector<4096xf32>
      %broadcast_in_dim3A_23 = vector.shape_cast %reduce_sum3A_22 : vector<4096xf32> to vector<1x4096xf32>
      %sqrt3A_24 = math.sqrt %broadcast_in_dim3A_23 : vector<1x4096xf32>
      %max3A_25 = arith.constant 9.99999996E-13 : f32
      %max3A_26 = vector.broadcast %max3A_25 : f32 to vector<1x4096xf32>
      %max3A_27 = arith.maximumf %sqrt3A_24, %max3A_26 : vector<1x4096xf32>
      %div3A_28 = vector.broadcast %max3A_27 : vector<1x4096xf32> to vector<256x4096xf32>
      %div3A_29 = arith.divf %get3A_19, %div3A_28 : vector<256x4096xf32>
      %swap3A_30 = arith.constant 0 : index
      %swap3A_31 = arith.constant 0 : index
      %swap3A_32 = vector.load %arg7[%swap3A_30, %swap3A_31] : memref<256x4096xf32, #tpu.memory_space<vmem>>, vector<256x4096xf32>
      tpu.vector_store %arg7[%swap3A_30, %swap3A_31], %div3A_29 {strides = array<i32>} : memref<256x4096xf32, #tpu.memory_space<vmem>>, vector<256x4096xf32>,
      %get3A_33 = arith.constant 0 : index
      %get3A_34 = arith.constant 0 : index
      %get3A_35 = vector.load %arg2[%get3A_33, %get3A_34] : memref<1x4096xf32, #tpu.memory_space<vmem>>, vector<1x4096xf32>
      %reduce_sum3A_36 = vector.shape_cast %get3A_35 : vector<1x4096xf32> to vector<1x1x4096xf32>
      %reduce_sum3A_37 = arith.constant dense<0.000000e+00> : vector<1xf32>
      %reduce_sum3A_38 = vector.multi_reduction <add>, %reduce_sum3A_36, %reduce_sum3A_37 [1, 2] : vector<1x1x4096xf32> to vector<1xf32>
      %reduce_sum3A_39 = vector.shape_cast %reduce_sum3A_38 : vector<1xf32> to vector<1x1x1xf32>
      %reduce_sum3A_40 = vector.extract %reduce_sum3A_39[0, 0, 0] : f32 from vector<1x1x1xf32>
      %gt3A = arith.constant 0.000000e+00 : f32
      %gt3A_41 = arith.cmpf ogt, %reduce_sum3A_40, %gt3A : f32
      %add3A = arith.constant 1.000000e-10 : f32
      %add3A_42 = arith.addf %reduce_sum3A_40, %add3A : f32
      %div3A_43 = vector.broadcast %add3A_42 : f32 to vector<1x4096xf32>
      %div3A_44 = arith.divf %get3A_35, %div3A_43 : vector<1x4096xf32>
      %broadcast_in_dim3A_45 = arith.constant 2.44140625E-4 : f32
      %broadcast_in_dim3A_46 = vector.broadcast %broadcast_in_dim3A_45 : f32 to vector<1x4096xf32>
      %select_n3A = arith.select %gt3A_41, %div3A_44, %broadcast_in_dim3A_46 : vector<1x4096xf32>
      %add3A_47 = arith.constant 1.000000e-10 : f32
      %add3A_48 = vector.broadcast %add3A_47 : f32 to vector<1x4096xf32>
      %add3A_49 = arith.addf %select_n3A, %add3A_48 : vector<1x4096xf32>
      %log3A = math.log %add3A_49 : vector<1x4096xf32>
      %mul3A_50 = arith.mulf %select_n3A, %log3A : vector<1x4096xf32>
      %reduce_sum3A_51 = vector.shape_cast %mul3A_50 : vector<1x4096xf32> to vector<1x1x4096xf32>
      %reduce_sum3A_52 = arith.constant dense<0.000000e+00> : vector<1xf32>
      %reduce_sum3A_53 = vector.multi_reduction <add>, %reduce_sum3A_51, %reduce_sum3A_52 [1, 2] : vector<1x1x4096xf32> to vector<1xf32>
      %reduce_sum3A_54 = vector.shape_cast %reduce_sum3A_53 : vector<1xf32> to vector<1x1x1xf32>
      %reduce_sum3A_55 = vector.extract %reduce_sum3A_54[0, 0, 0] : f32 from vector<1x1x1xf32>
      %reshape3A_56 = vector.broadcast %reduce_sum3A_55 : f32 to vector<1x1xf32>
      %neg3A = arith.constant 0.000000e+00 : f32
      %neg3A_57 = vector.broadcast %neg3A : f32 to vector<1x1xf32>
      %neg3A_58 = arith.subf %neg3A_57, %reshape3A_56 : vector<1x1xf32>
      %swap3A_59 = arith.constant 0 : index
      %swap3A_60 = arith.constant 0 : index
      %swap3A_61 = vector.load %arg5[%swap3A_59, %swap3A_60] : memref<1x1xf32, #tpu.memory_space<vmem>>, vector<1x1xf32>
      tpu.vector_store %arg5[%swap3A_59, %swap3A_60], %neg3A_58 {strides = array<i32>} : memref<1x1xf32, #tpu.memory_space<vmem>>, vector<1x1xf32>,
      %exp3A = math.exp %neg3A_58 : vector<1x1xf32>
      %swap3A_62 = arith.constant 0 : index
      %swap3A_63 = arith.constant 0 : index
      %swap3A_64 = vector.load %arg6[%swap3A_62, %swap3A_63] : memref<1x1xf32, #tpu.memory_space<vmem>>, vector<1x1xf32>
      tpu.vector_store %arg6[%swap3A_62, %swap3A_63], %exp3A {strides = array<i32>} : memref<1x1xf32, #tpu.memory_space<vmem>>, vector<1x1xf32>,
    } else {
    }
    %get3A = arith.constant 0 : index
    %get3A_2 = arith.constant 0 : index
    %get3A_3 = vector.load %arg3[%get3A, %get3A_2] : memref<2048x256xf32, #tpu.memory_space<vmem>>, vector<2048x256xf32>
    %mul3A = arith.mulf %get3A_3, %get3A_3 : vector<2048x256xf32>
    %reduce_sum3A = arith.constant dense<0.000000e+00> : vector<2048xf32>
    %reduce_sum3A_4 = vector.multi_reduction <add>, %mul3A, %reduce_sum3A [1] : vector<2048x256xf32> to vector<2048xf32>
    %broadcast_in_dim3A = vector.shape_cast %reduce_sum3A_4 : vector<2048xf32> to vector<2048x1xf32>
    %sqrt3A = math.sqrt %broadcast_in_dim3A : vector<2048x1xf32>
    %max3A = arith.constant 9.99999996E-13 : f32
    %max3A_5 = vector.broadcast %max3A : f32 to vector<2048x1xf32>
    %max3A_6 = arith.maximumf %sqrt3A, %max3A_5 : vector<2048x1xf32>
    %div3A = vector.broadcast %max3A_6 : vector<2048x1xf32> to vector<2048x256xf32>
    %div3A_7 = arith.divf %get3A_3, %div3A : vector<2048x256xf32>
    %get3A_8 = arith.constant 0 : index
    %get3A_9 = arith.constant 0 : index
    %get3A_10 = vector.load %arg7[%get3A_8, %get3A_9] : memref<256x4096xf32, #tpu.memory_space<vmem>>, vector<256x4096xf32>
    %dot_general3A = arith.constant dense<0.000000e+00> : vector<2048x4096xf32>
    %dot_general3A_11 = tpu.matmul %div3A_7, %get3A_10, %dot_general3A {dimension_numbers = #tpu.dot_dimension_numbers<[1], [0], [0], [1], [0, 0, 1, 1], [], []>, transpose_lhs_hint = false} : vector<2048x256xf32>, vector<256x4096xf32>, vector<2048x4096xf32> -> vector<2048x4096xf32>
    %sub3A = arith.constant 1.000000e+00 : f32
    %sub3A_12 = vector.broadcast %sub3A : f32 to vector<2048x4096xf32>
    %sub3A_13 = arith.subf %sub3A_12, %dot_general3A_11 : vector<2048x4096xf32>
    %argmin3A = tpu.reduce_index %sub3A_13 {axis = 1 : i32, kind = #tpu.reduction_kind<arg_min>} : vector<2048x4096xf32> -> vector<2048xi32>
    %reshape3A = vector.shape_cast %argmin3A : vector<2048xi32> to vector<1x1x2048xi32>
    %swap3A = arith.constant 0 : index
    %swap3A_14 = arith.constant 0 : index
    %swap3A_15 = arith.constant 0 : index
    %swap3A_16 = vector.load %arg4[%swap3A, %swap3A_14, %swap3A_15] : memref<1x1x2048xi32, #tpu.memory_space<vmem>>, vector<1x1x2048xi32>
    tpu.vector_store %arg4[%swap3A, %swap3A_14, %swap3A_15], %reshape3A {strides = array<i32>} : memref<1x1x2048xi32, #tpu.memory_space<vmem>>, vector<1x1x2048xi32>,
    return
  }
  func.func @transform_0(%arg0: i32) -> (i32, i32) {
    %c0_i32 = arith.constant 0 : i32
    %c0_i32_0 = arith.constant 0 : i32
    %c0_i32_1 = arith.constant 0 : i32
    return %c0_i32, %c0_i32_0 : i32, i32
  }
  func.func @transform_1(%arg0: i32) -> (i32, i32) {
    %c0_i32 = arith.constant 0 : i32
    %c0_i32_0 = arith.constant 0 : i32
    %c0_i32_1 = arith.constant 0 : i32
    return %c0_i32, %c0_i32_0 : i32, i32
  }
  func.func @transform_2(%arg0: i32) -> (i32, i32) {
    %add3A = arith.constant 0 : i32
    %add3A_0 = arith.addi %arg0, %add3A : i32
    %c0_i32 = arith.constant 0 : i32
    %c0_i32_1 = arith.constant 0 : i32
    return %add3A_0, %c0_i32 : i32, i32
  }
  func.func @transform_3(%arg0: i32) -> (i32, i32, i32) {
    %c0_i32 = arith.constant 0 : i32
    %c0_i32_0 = arith.constant 0 : i32
    %c0_i32_1 = arith.constant 0 : i32
    return %arg0, %c0_i32, %c0_i32_0 : i32, i32, i32
  }
  func.func @transform_4(%arg0: i32) -> (i32, i32) {
    %c0_i32 = arith.constant 0 : i32
    %c0_i32_0 = arith.constant 0 : i32
    %c0_i32_1 = arith.constant 0 : i32
    return %c0_i32, %c0_i32_0 : i32, i32
  }
  func.func @transform_5(%arg0: i32) -> (i32, i32) {
    %c0_i32 = arith.constant 0 : i32
    %c0_i32_0 = arith.constant 0 : i32
    %c0_i32_1 = arith.constant 0 : i32
    return %c0_i32, %c0_i32_0 : i32, i32
  }
}

module attributes {stable_mosaic.version = 14 : i64} {
  func.func @_commit_body(%arg0: i32, %arg1: memref<2048x256xf32, #tpu.memory_space<vmem>>, %arg2: memref<2048x256xf32, #tpu.memory_space<vmem>>, %arg3: memref<1x1xf32, #tpu.memory_space<vmem>>) attributes {dimension_semantics = [#tpu.dimension_semantics<arbitrary>], iteration_bounds = array<i64: 8>, scalar_prefetch = 0 : i64, scratch_operands = 0 : i64, tpu.core_type = #tpu.core_type<tc>, window_params = [{transform_indices = @transform_0, window_bounds = array<i64: 2048, 256>}, {transform_indices = @transform_1, window_bounds = array<i64: 2048, 256>}, {pipeline_mode = #tpu.pipeline_mode<synchronous>, transform_indices = @transform_2, window_bounds = array<i64: 1, 1>}]} {
    %eq3A = arith.constant 0 : i32
    %eq3A_0 = arith.cmpi eq, %arg0, %eq3A : i32
    %convert_element_type3A = arith.extui %eq3A_0 : i1 to i32
    %cond3A = arith.constant 0 : i32
    %cond3A_1 = arith.cmpi ne, %convert_element_type3A, %cond3A : i32
    scf.if %cond3A_1 {
      %broadcast_in_dim3A = arith.constant 0.000000e+00 : f32
      %broadcast_in_dim3A_21 = vector.broadcast %broadcast_in_dim3A : f32 to vector<1x1xf32>
      %swap3A_22 = arith.constant 0 : index
      %swap3A_23 = arith.constant 0 : index
      %swap3A_24 = vector.load %arg3[%swap3A_22, %swap3A_23] : memref<1x1xf32, #tpu.memory_space<vmem>>, vector<1x1xf32>
      tpu.vector_store %arg3[%swap3A_22, %swap3A_23], %broadcast_in_dim3A_21 {strides = array<i32>} : memref<1x1xf32, #tpu.memory_space<vmem>>, vector<1x1xf32>,
    } else {
    }
    %get3A = arith.constant 0 : index
    %get3A_2 = arith.constant 0 : index
    %get3A_3 = vector.load %arg2[%get3A, %get3A_2] : memref<2048x256xf32, #tpu.memory_space<vmem>>, vector<2048x256xf32>
    %get3A_4 = arith.constant 0 : index
    %get3A_5 = arith.constant 0 : index
    %get3A_6 = vector.load %arg1[%get3A_4, %get3A_5] : memref<2048x256xf32, #tpu.memory_space<vmem>>, vector<2048x256xf32>
    %sub3A = arith.subf %get3A_3, %get3A_6 : vector<2048x256xf32>
    %get3A_7 = arith.constant 0 : index
    %get3A_8 = arith.constant 0 : index
    %get3A_9 = vector.load %arg3[%get3A_7, %get3A_8] : memref<1x1xf32, #tpu.memory_space<vmem>>, vector<1x1xf32>
    %mul3A = arith.mulf %sub3A, %sub3A : vector<2048x256xf32>
    %reduce_sum3A = vector.shape_cast %mul3A : vector<2048x256xf32> to vector<1x2048x256xf32>
    %reduce_sum3A_10 = arith.constant dense<0.000000e+00> : vector<1xf32>
    %reduce_sum3A_11 = vector.multi_reduction <add>, %reduce_sum3A, %reduce_sum3A_10 [1, 2] : vector<1x2048x256xf32> to vector<1xf32>
    %reduce_sum3A_12 = vector.shape_cast %reduce_sum3A_11 : vector<1xf32> to vector<1x1x1xf32>
    %reduce_sum3A_13 = vector.extract %reduce_sum3A_12[0, 0, 0] : f32 from vector<1x1x1xf32>
    %reshape3A = vector.broadcast %reduce_sum3A_13 : f32 to vector<1x1xf32>
    %add3A = arith.addf %get3A_9, %reshape3A : vector<1x1xf32>
    %swap3A = arith.constant 0 : index
    %swap3A_14 = arith.constant 0 : index
    %swap3A_15 = vector.load %arg3[%swap3A, %swap3A_14] : memref<1x1xf32, #tpu.memory_space<vmem>>, vector<1x1xf32>
    tpu.vector_store %arg3[%swap3A, %swap3A_14], %add3A {strides = array<i32>} : memref<1x1xf32, #tpu.memory_space<vmem>>, vector<1x1xf32>,
    %eq3A_16 = arith.constant 7 : i32
    %eq3A_17 = arith.cmpi eq, %arg0, %eq3A_16 : i32
    %convert_element_type3A_18 = arith.extui %eq3A_17 : i1 to i32
    %cond3A_19 = arith.constant 0 : i32
    %cond3A_20 = arith.cmpi ne, %convert_element_type3A_18, %cond3A_19 : i32
    scf.if %cond3A_20 {
      %get3A_21 = arith.constant 0 : index
      %get3A_22 = arith.constant 0 : index
      %get3A_23 = vector.load %arg3[%get3A_21, %get3A_22] : memref<1x1xf32, #tpu.memory_space<vmem>>, vector<1x1xf32>
      %mul3A_24 = arith.constant 1.1920929E-7 : f32
      %mul3A_25 = vector.broadcast %mul3A_24 : f32 to vector<1x1xf32>
      %mul3A_26 = arith.mulf %get3A_23, %mul3A_25 : vector<1x1xf32>
      %swap3A_27 = arith.constant 0 : index
      %swap3A_28 = arith.constant 0 : index
      %swap3A_29 = vector.load %arg3[%swap3A_27, %swap3A_28] : memref<1x1xf32, #tpu.memory_space<vmem>>, vector<1x1xf32>
      tpu.vector_store %arg3[%swap3A_27, %swap3A_28], %mul3A_26 {strides = array<i32>} : memref<1x1xf32, #tpu.memory_space<vmem>>, vector<1x1xf32>,
    } else {
    }
    return
  }
  func.func @transform_0(%arg0: i32) -> (i32, i32) {
    %c0_i32 = arith.constant 0 : i32
    %c0_i32_0 = arith.constant 0 : i32
    return %arg0, %c0_i32 : i32, i32
  }
  func.func @transform_1(%arg0: i32) -> (i32, i32) {
    %c0_i32 = arith.constant 0 : i32
    %c0_i32_0 = arith.constant 0 : i32
    return %arg0, %c0_i32 : i32, i32
  }
  func.func @transform_2(%arg0: i32) -> (i32, i32) {
    %c0_i32 = arith.constant 0 : i32
    %c0_i32_0 = arith.constant 0 : i32
    %c0_i32_1 = arith.constant 0 : i32
    return %c0_i32, %c0_i32_0 : i32, i32
  }
}

</mosaic_0001>

<sc_bundles>
// kernel: kernel.5.cloned.1.call-start
scs
__scs_entry_jumppad:
0x0: {  	(pc) =	sbr.rel $0x88, $3  }
0x1: {  	(tag) =	ssettag $0x0;
	lr =	simm.s32 $0x1  }
0x2: {  	[smem:$0x3F9E] =	sst lr;
	_ =	strace $0xD0000000  }
0x3: {  	_ = 	snop  }
0x4: {  	_ = 	snop  }
0x5: {  	_ = 	snop  }
0x6: {  	_ = 	snop  }
0x7: {  	_ = 	snop  }
__scs_overlays_trampoline_lowered:
0x8: {  	[smem:$0x3FAD] =	sst s0  }
0x9: {  	[smem:$0x3FAE] =	sst s1  }
0xa: {  	[smem:$0x3FAF] =	sst s2  }
0xb: {  	[smem:$0x3FB0] =	sst s3  }
0xc: {  	[smem:$0x3FB1] =	sst s4  }
0xd: {  	[smem:$0x3FB2] =	sst s5  }
0xe: {  	[smem:$0x3FB3] =	sst s6  }
0xf: {  	[smem:$0x3FB4] =	sst s7  }
0x10: {  	[smem:$0x3FB5] =	sst s8  }
0x11: {  	[smem:$0x3FB6] =	sst s9;
	s0 =	simm.s32 @!p0 $0x0  }
0x12: {  	s1 =	sld [smem:$0x3F9C];
	s0 =	simm.s32 @p0 $0x1  }
0x13: {  	[smem:$0x3FB7] =	sst s0;
	s0 =	simm.s32 @!p1 $0x0  }
0x14: {  	s2 =	sld [smem:$0x3F9B];
	s0 =	simm.s32 @p1 $0x1  }
0x15: {  	[smem:$0x3FB8] =	sst s0;
	s0 =	simm.s32 @!p2 $0x0  }
0x16: {  	s3 =	sld [smem:$0x3FDB];
	s0 =	simm.s32 @p2 $0x1  }
0x17: {  	s4 =	simm.s32 $0x1BF5;
	[smem:$0x3FBA] =	sst s0  }
0x18: {  	s0 =	sld [smem:$0x3F9D];
	_ =	swait.ge [sflag:s4], $0x0  }
0x19: {  	s7 =	sld [smem:$0x3F9E]  }
0x1a: {  	s8 =	sadd.s32 $0xFFFFE003, lr  }
0x1b: {  	s9 =	sadd.s32 $0xFFFFFEF7, lr;
	s5 =	simm.s32 $0xFFFFFFFF;
	p2 =	slt.u32 s8, $0xFFFFF086  }
0x1c: {  	p1 =	slt.u32 s9, $0xF7A;
	s5 =	simm.s32 @!p2 $0x0  }
0x1d: {  	s5 =	simm.s32 @p1 $0x1;
	p0 =	seq.s32 s7, s2  }
0x1e: {  	s7 =	smul.u32 @!p0 $0xF7A, s2;
	p2 =	seq.s32 @!p0 s5, $0x0  }
0x1f: {  	s9 =	smul.u32 $0xF7A, s1;
	s8 =	simm.s32 @!p0 $0x1BF5;
	p2 =	por !p2, p0  }
0x20: {  	[sflag:s8] =	ssyncset.s32 @!p0 $0xFFFFF086;
	s6 =	sadd.s32 @!p0 s3, s7;
	s7 =	simm.s32 @!p0 $0x108  }
0x21: {  	s3 =	sadd.s32 s3, s9;
	s6 =	sadd.s32 @!p0 $0x88, s6;
	s7 =	simm.s32 @p2 $0x1082  }
0x22: {  	[simem:s7], [sflag:s8] =	dma.local @!p0 [hbm:s6], $0xF7A  }
0x23: {  	s9 =	sor.u32 $0xD0000000, s2;
	s6 =	simm.s32 $0x108;
	_ =	swait.ge @!p0 [sflag:s8], $0x0  }
0x24: {  	s3 =	sadd.s32 $0x88, s3;
	s6 =	simm.s32 @!p1 $0x1082;
	[sflag:s4] =	ssyncset.s32 $0xFFFFF086  }
0x25: {  	[simem:s6], [sflag:s4] =	dma.local [hbm:s3], $0xF7A  }
0x26: {  	[smem:$0x3F9E] =	sst s1;
	(tag) =	ssettag s2;
	_ =	strace s9  }
0x27: {  	s1 =	sld [smem:$0x3FAE]  }
0x28: {  	s2 =	sld [smem:$0x3FAF]  }
0x29: {  	s4 =	sld [smem:$0x3FB1]  }
0x2a: {  	p0 =	seq.s32 s5, $0x0;
	s5 =	sld [smem:$0x3FB2]  }
0x2b: {  	s6 =	sld [smem:$0x3FB3]  }
0x2c: {  	s7 =	sld [smem:$0x3FB4]  }
0x2d: {  	s3 =	simm.s32 $0x108;
	s8 =	sld [smem:$0x3FB5]  }
0x2e: {  	s3 =	simm.s32 @!p0 $0x1082;
	s9 =	sld [smem:$0x3FB6]  }
0x2f: {  	lr =	sadd.s32 s0, s3;
	s0 =	sld [smem:$0x3FAD]  }
0x30: {  	s3 =	sld [smem:$0x3FB0]  }
0x31: {  	[smem:$0x3FB9] =	sst s10  }
0x32: {  	s10 =	sld [smem:$0x3FB7];
	_ =	sdelay $0x3  }
0x33: {  	p0 =	seq.s32 s10, $0x1;
	s10 =	sld [smem:$0x3FB9];
	_ =	sdelay $0x3  }
0x34: {  	[smem:$0x3FB9] =	sst s10  }
0x35: {  	s10 =	sld [smem:$0x3FB8];
	_ =	sdelay $0x3  }
0x36: {  	p1 =	seq.s32 s10, $0x1;
	s10 =	sld [smem:$0x3FB9];
	_ =	sdelay $0x3  }
0x37: {  	[smem:$0x3FB9] =	sst s10  }
0x38: {  	s10 =	sld [smem:$0x3FBA]  }
0x39: {  	_ = 	snop;
	(pc) =	sbr.ind lr, $3  }
0x3a: {  	_ = 	snop  }
0x3b: {  	_ = 	snop  }
0x3c: {  	p2 =	seq.s32 s10, $0x1;
	s10 =	sld [smem:$0x3FB9]  }
0x3d: {  	_ =	shalt  }
0x3e: {  	_ =	shalt  }
0x3f: {  	_ =	shalt  }
0x40: {  	_ =	shalt  }
0x41: {  	_ =	shalt  }
0x42: {  	_ =	shalt  }
0x43: {  	_ =	shalt  }
0x44: {  	_ =	shalt  }
0x45: {  	_ =	shalt  }
0x46: {  	_ =	shalt  }
0x47: {  	_ =	shalt  }
0x48: {  	_ =	shalt  }
0x49: {  	_ =	shalt  }
0x4a: {  	_ =	shalt  }
0x4b: {  	_ =	shalt  }
0x4c: {  	_ =	shalt  }
0x4d: {  	_ =	shalt  }
0x4e: {  	_ =	shalt  }
0x4f: {  	_ =	shalt  }
0x50: {  	_ =	shalt  }
0x51: {  	_ =	shalt  }
0x52: {  	_ =	shalt  }
0x53: {  	_ =	shalt  }
0x54: {  	_ =	shalt  }
0x55: {  	_ =	shalt  }
0x56: {  	_ =	shalt  }
0x57: {  	_ =	shalt  }
0x58: {  	_ =	shalt  }
0x59: {  	_ =	shalt  }
0x5a: {  	_ =	shalt  }
0x5b: {  	_ =	shalt  }
0x5c: {  	_ =	shalt  }
0x5d: {  	_ =	shalt  }
0x5e: {  	_ =	shalt  }
0x5f: {  	_ =	shalt  }
0x60: {  	_ =	shalt  }
0x61: {  	_ =	shalt  }
0x62: {  	_ =	shalt  }
0x63: {  	_ =	shalt  }
0x64: {  	_ =	shalt  }
0x65: {  	_ =	shalt  }
0x66: {  	_ =	shalt  }
0x67: {  	_ =	shalt  }
0x68: {  	_ =	shalt  }
0x69: {  	_ =	shalt  }
0x6a: {  	_ =	shalt  }
0x6b: {  	_ =	shalt  }
0x6c: {  	_ =	shalt  }
0x6d: {  	_ =	shalt  }
0x6e: {  	_ =	shalt  }
0x6f: {  	_ =	shalt  }
0x70: {  	_ =	shalt  }
0x71: {  	_ =	shalt  }
0x72: {  	_ =	shalt  }
0x73: {  	_ =	shalt  }
0x74: {  	_ =	shalt  }
0x75: {  	_ =	shalt  }
0x76: {  	_ =	shalt  }
0x77: {  	_ =	shalt  }
0x78: {  	_ =	shalt  }
0x79: {  	_ =	shalt  }
0x7a: {  	_ =	shalt  }
0x7b: {  	_ =	shalt  }
0x7c: {  	_ =	shalt  }
0x7d: {  	_ =	shalt  }
0x7e: {  	_ =	shalt  }
0x7f: {  	_ =	shalt  }
0x80: {  	_ =	shalt  }
0x81: {  	_ =	shalt  }
0x82: {  	_ =	shalt  }
0x83: {  	_ =	shalt  }
0x84: {  	_ =	shalt  }
0x85: {  	_ =	shalt  }
0x86: {  	_ =	shalt  }
0x87: {  	_ =	shalt  }
.Lfunc_end0:
.L_simem_size_0:
called_computation_lowered:
.L_overlay_start_0:
0x88: {  	s2 =	sld [smem:$0x3FD9]  }
0x89: {  	s3 =	sld [smem:$0x3FFE];
	_ =	sdelay $0x1  }
0x8a: {  	s1 =	srdreg.scid  }
0x8b: {  	s0 =	sand.u32 $0x1, s1  }
0x8c: {  	s15 =	sshll.u32 s0, $0xA;
	s2 =	sadd.s32 s3, s2  }
0x8d: {  	s2 =	sadd.s32 s2, s15  }
0x8e: {  	[smem:$0x3FC5] =	sst s2  }
0x8f: {  	_ = 	snop  }
0x90: {  	s2 =	sld [smem:$0x3FD0];
	_ =	sdelay $0x2  }
0x91: {  	s4 =	simm.s32 $0xA;
	s5 =	simm.s32 $0x10;
	s16 =	sld [smem:$0x3FC8]  }
0x92: {  	[smem:s5], [sflag:s4] =	dma.local [hbm:s2], $0x1  }
0x93: {  	_ =	swait.eq [sflag:s4], $0x1  }
0x94: {  	[sflag:s4] =	ssyncset.done $0x0  }
0x95: {  	s17 =	sld [smem:$0x10];
	[sflag:s4] =	ssyncadd.s32 $0xFFFFFFFF  }
0x96: {  	s18 =	sld [smem:$0x11];
	(tm) =	ssettm $0x1  }
0x97: {  	s19 =	sld [smem:$0x3FFB];
	_ =	sdelay $0x3  }
0x98: {  	_ =	strace s19  }
0x99: {  	s5 =	sld [smem:$0x3FFC];
	_ =	sdelay $0x3  }
0x9a: {  	_ =	strace s5  }
0x9b: {  	s5 =	sld [smem:$0x3FFD];
	_ =	sdelay $0x3  }
0x9c: {  	_ =	strace s5  }
0x9d: {  	_ =	strace $0x8FFFFFFF  }
0x9e: {  	s20 =	sld [smem:$0x3FDB];
	_ =	sdelay $0x1  }
0x9f: {  	s6 =	simm.s32 $_scs_section_size  }
0xa0: {  	s7 =	simm.s32 $_size__tile_overlayer_lowered;
	s8 =	simm.s32 $_tile_overlayer_lowered  }
0xa1: {  	s23 =	simm.s32 $0x1BFF;
	s22 =	sshll.u32 s8, $0x1;
	s5 =	sadd.s32 s6, s20  }
0xa2: {  	s9 =	simm.s32 $0x0;
	s21 =	sshll.u32 s7, $0x1;
	s7 =	sadd.s32 s22, s5  }
0xa3: {  	[timem:s9], [sflag:s23] =	dma.local [hbm:s7], s21  }
0xa4: {  	_ =	swait.ge [sflag:s23], s21  }
0xa5: {  	s6 =	ssub.s32 $0x0, s21;
	[sflag:s23] =	ssyncset.done $0x0  }
0xa6: {  	[sflag:s23] =	ssyncadd.s32 s6;
	_ =	sdelay $0x1  }
0xa7: {  	s24 =	simm.s32 $0x1B8B  }
0xa8: {  	_ =	swait.ge [sflag:s24], $0x1  }
0xa9: {  	[sflag:s24] =	ssyncset.done $0x0  }
0xaa: {  	s25 =	simm.s32 $0x1B8E;
	[sflag:s24] =	ssyncadd.s32 $0xFFFFFFFF  }
0xab: {  	s26 =	simm.s32 $execute0_lowered;
	[smem:$0x3FD2] =	sst s25  }
0xac: {  	s6 =	sshll.u32 s26, $0x1;
	_ =	strace $0x80000046;
	[dreg:$0x1] =	wrdreg $0xFFFFFFFF  }
0xad: {  	s28 =	simm.s32 $_size_execute0_lowered;
	s5 =	sadd.s32 s5, s6;
	[dreg:$0x0] =	wrdreg $0x0  }
0xae: {  	s6 =	sshll.u32 s28, $0x1;
	[dreg:$0x2] =	wrdreg s5  }
0xaf: {  	[dreg:$0x3] =	wrdreg s6  }
0xb0: {  	[dreg:$0x4] =	wrdreg $0xC0  }
0xb1: {  	_ =	task [dreg:s9], $0x5FFFF  }
0xb2: {  	[dreg:$0x1] =	wrdreg $0xFFFFFFFF  }
0xb3: {  	[dreg:$0x0] =	wrdreg $0x60  }
0xb4: {  	[dreg:$0x2] =	wrdreg s16  }
0xb5: {  	[dreg:$0x3] =	wrdreg s18  }
0xb6: {  	[dreg:$0x4] =	wrdreg s17  }
0xb7: {  	[dreg:$0x5] =	wrdreg $0x9  }
0xb8: {  	_ =	task.clear_ibuf [dreg:s9], $0x6FFFF;
	_ =	strace $0x90000046  }
0xb9: {  	s29 =	simm.s32 $0x9;
	_ =	strace $0x80000048  }
0xba: {  	_ =	swait.ge [sflag:s29], $0x1  }
0xbb: {  	[sflag:s29] =	ssyncadd.s32 $0xFFFFFFFF  }
0xbc: {  	_ =	strace $0x90000048  }
0xbd: {  	_ =	sfence  }
0xbe: {  	s30 =	sld [smem:$0x0];
	_ =	sdelay $0x2  }
0xbf: {  	s31 =	sshll.u32 s1, $0xD;
	s1 =	sshrl.u32 s1, $0x2  }
0xc0: {  	s3 =	sand.u32 $0x4000, s31;
	s1 =	sadd.s32 s1, s30  }
0xc1: {  	s0 =	sor.u32 s3, s0;
	s1 =	sshll.u32 s1, $0x11  }
0xc2: {  	s0 =	sor.u32 s1, s0  }
0xc3: {  	s0 =	sadd.s32 $0x8F2B, s0  }
0xc4: {  	[sflag:s0] =	ssyncadd.remote.s32 $0x1  }
0xc5: {  	_ =	sfence.sel $0xFFFF  }
0xc6: {  	[dreg:$0x0] =	wrdreg $0xFFFFFFFF;
	(pc) =	sbr.abs _section_cstart, $3  }
0xc7: {  	[dreg:$0x1] =	wrdreg $0xFFFFFFFF  }
0xc8: {  	_ =	task.clear_ibuf [dreg:s9], $0x2FFFF;
	_ =	strace $0x9FFFFFFF  }
0xc9: {  	(tm) =	ssettm $0x7FFFFFFF  }
tec
execute0_lowered:
.L_overlay_start_1:
0x0: {  	(tag) =	ssettag $0x1  }
0x1: {  	s1 =	rddreg [dreg:$0x0];
	s0 =	srdreg.scid  }
0x2: {  	s2 =	rddreg [dreg:$0x1];
	s3 =	stileid.u32  }
0x3: {  	s4 =	rddreg [dreg:$0x2];
	s14 =	simm.s32 $0x3;
	s15 =	simm.s32 $0x2  }
0x4: {  	s28 =	simm.s32 $0x4900;
	s29 =	simm.s32 $0x5100;
	s30 =	simm.s32 $0x5900  }
0x5: {  	s31 =	simm.s32 $0x6100;
	s9 =	simm.s32 $0x8900;
	s10 =	simm.s32 $0x9100  }
0x6: {  	s11 =	simm.s32 $0x9900;
	s12 =	simm.s32 $0xA100;
	s0 =	sand.u32 $0x1, s0  }
0x7: {  	s5 =	sshll.u32 s3, $0xA;
	s3 =	simm.s32 $0x0;
	s6 =	sshll.u32 s0, $0x9  }
0x8: {  	[smem:$0x7FF] =	sst s3;
	s0 =	ssub.s32 $0x2, s0;
	s5 =	sor.u32 s6, s5  }
0x9: {  	_ =	strace $0x80000047;
	s25 =	sshrl.u32 s0, $0x1;
	s6 =	sshrl.u32 s5, $0x3  }
0xa: {  	s7 =	sor.u32 $0x80, s5;
	s17 =	sshll.u32 s5, $0x5;
	s19 =	sor.u32 $0x100, s5  }
0xb: {  	s5 =	sor.u32 $0x180, s5;
	s0 =	ssub.s32 s0, s25;
	s25 =	simm.s32 $0x3900  }
0xc: {  	s6 =	sadd.s32 s2, s6;
	s8 =	sshrl.u32 s7, $0x3;
	s18 =	sadd.s32 s4, s17  }
0xd: {  	s20 =	sshrl.u32 s19, $0x3;
	s7 =	sshll.u32 s7, $0x5;
	s22 =	sshrl.u32 s5, $0x3  }
0xe: {  	s23 =	sshll.u32 s19, $0x5;
	s5 =	sshll.u32 s5, $0x5;
	[dreg:$0x4] =	wrdreg s6  }
0xf: {  	s19 =	simm.s32 $0x1100;
	s16 =	sadd.s32 s2, s8;
	[dreg:$0x6] =	wrdreg s18  }
0x10: {  	s6 =	sadd.s32 s2, s20;
	s21 =	sadd.s32 s4, s7;
	s2 =	sadd.s32 s2, s22  }
0x11: {  	s24 =	sadd.s32 s4, s23;
	s26 =	sadd.s32 s4, s5;
	[dreg:$0x5] =	wrdreg s16  }
0x12: {  	s4 =	smax.u32 s0, $0x1;
	s5 =	simm.s32 $0x5;
	[dreg:$0x7] =	wrdreg s6  }
0x13: {  	s8 =	simm.s32 $0x1;
	s18 =	simm.s32 $0x900;
	[dreg:$0x8] =	wrdreg s21  }
0x14: {  	s20 =	simm.s32 $0x1900;
	s22 =	simm.s32 $0x2900;
	[dreg:$0x9] =	wrdreg s2  }
0x15: {  	v2 =	vlaneseq.u32;
	s7 =	simm.s32 $0x7900;
	s23 =	simm.s32 $0xA900;
	[dreg:$0xa] =	wrdreg s24  }
0x16: {  	vm0 =	vmmov $0xffff;
	v1 =	vshrl.u32 v2, $0x3;
	[dreg:$0xb] =	wrdreg s26;
	s16 =	simm.s32 $0x4;
	s21 =	simm.s32 $0x2100  }
0x17: {  	v0 =	vand.u32 $0x7, v2;
	v2 =	vor.u32 $0x8, v2;
	v1 =	vmul.u32 $0x8, v1;
	s24 =	simm.s32 $0x3100;
	s26 =	simm.s32 $0x4100;
	s6 =	simm.s32 $0x7100  }
.LBB2_1:
0x18: {  	s17 =	rddreg [dreg:$0x4]  }
0x19: {  	[tilespmem:s3], [sflag:$0x5] =	stream.linear.gather [hbm4b:s17+s3], $0x80, $0x38;
	[tilespmem:$0x10100] =	vst v63  }
0x1a: {  	_ =	swait.ge [sflag:s5], $0x80  }
0x1b: {  	[sflag:s5] =	ssyncset.done $0x0  }
0x1c: {  	[sflag:s5] =	ssyncadd.s32 $0xFFFFFF80  }
0x1d: {  	v3 =	vld [tilespmem:$0x0];
	_ =	sdelay $0x4  }
0x1e: {  	v4 =	vshll.u32 v3, $0x1  }
0x1f: {  	v3 =	vand.u32 $0x7, v3;
	v4 =	vand.u32 $0xFFFFFFF0, v4  }
0x20: {  	v3 =	vor.u32 v3, v4  }
0x21: {  	v4 =	vperm.xlane v3, v0;
	_ =	sdelay $0x1  }
0x22: {  	v3 =	vperm.xlane v3, v2;
	v4 =	vadd.s32 v1, v4;
	_ =	sdelay $0x1  }
0x23: {  	v3 =	vadd.s32 v1, v3;
	_ =	sdelay $0x1  }
0x24: {  	s0 =	simm.s32 $0x100  }
0x25: {  	[tilespmem:s0], [sflag:$0x1] =	stream.indirect_vreg.gather [hbm4b:s1+s3], $0x80, v4, vm0, $0xb8;
	[tilespmem:$0x10100] =	vst v63  }
0x26: {  	_ = 	snop  }
0x27: {  	[tilespmem:s18], [sflag:$0x1] =	stream.indirect_vreg.gather [hbm4b:s1+s3], $0x80, v3, vm0, $0xb8;
	[tilespmem:$0x10100] =	vst v63  }
0x28: {  	v3 =	vld [tilespmem:$0x10];
	_ =	sdelay $0x4  }
0x29: {  	v33 =	vshll.u32 v3, $0x1  }
0x2a: {  	v3 =	vand.u32 $0x7, v3;
	v4 =	vand.u32 $0xFFFFFFF0, v33  }
0x2b: {  	v3 =	vor.u32 v3, v4  }
0x2c: {  	v4 =	vperm.xlane v3, v0;
	_ =	sdelay $0x1  }
0x2d: {  	v3 =	vperm.xlane v3, v2;
	v4 =	vadd.s32 v1, v4;
	_ =	sdelay $0x1  }
0x2e: {  	v3 =	vadd.s32 v1, v3;
	_ =	sdelay $0x2  }
0x2f: {  	[tilespmem:s19], [sflag:$0x1] =	stream.indirect_vreg.gather [hbm4b:s1+s3], $0x80, v4, vm0, $0xb8;
	[tilespmem:$0x10100] =	vst v63  }
0x30: {  	_ = 	snop  }
0x31: {  	[tilespmem:s20], [sflag:$0x1] =	stream.indirect_vreg.gather [hbm4b:s1+s3], $0x80, v3, vm0, $0xb8;
	[tilespmem:$0x10100] =	vst v63  }
0x32: {  	v3 =	vld [tilespmem:$0x20];
	_ =	sdelay $0x4  }
0x33: {  	v34 =	vshll.u32 v3, $0x1  }
0x34: {  	v3 =	vand.u32 $0x7, v3;
	v4 =	vand.u32 $0xFFFFFFF0, v34  }
0x35: {  	v3 =	vor.u32 v3, v4  }
0x36: {  	v4 =	vperm.xlane v3, v0;
	_ =	sdelay $0x1  }
0x37: {  	v3 =	vperm.xlane v3, v2;
	v4 =	vadd.s32 v1, v4;
	_ =	sdelay $0x1  }
0x38: {  	v3 =	vadd.s32 v1, v3;
	_ =	sdelay $0x2  }
0x39: {  	[tilespmem:s21], [sflag:$0x1] =	stream.indirect_vreg.gather [hbm4b:s1+s3], $0x80, v4, vm0, $0xb8;
	[tilespmem:$0x10100] =	vst v63  }
0x3a: {  	_ = 	snop  }
0x3b: {  	[tilespmem:s22], [sflag:$0x1] =	stream.indirect_vreg.gather [hbm4b:s1+s3], $0x80, v3, vm0, $0xb8;
	[tilespmem:$0x10100] =	vst v63  }
0x3c: {  	v3 =	vld [tilespmem:$0x30];
	_ =	sdelay $0x4  }
0x3d: {  	v35 =	vshll.u32 v3, $0x1  }
0x3e: {  	v3 =	vand.u32 $0x7, v3;
	v4 =	vand.u32 $0xFFFFFFF0, v35  }
0x3f: {  	v3 =	vor.u32 v3, v4  }
0x40: {  	v4 =	vperm.xlane v3, v0;
	_ =	sdelay $0x1  }
0x41: {  	v3 =	vperm.xlane v3, v2;
	v4 =	vadd.s32 v1, v4;
	_ =	sdelay $0x1  }
0x42: {  	v3 =	vadd.s32 v1, v3;
	_ =	sdelay $0x2  }
0x43: {  	[tilespmem:s24], [sflag:$0x1] =	stream.indirect_vreg.gather [hbm4b:s1+s3], $0x80, v4, vm0, $0xb8;
	[tilespmem:$0x10100] =	vst v63  }
0x44: {  	_ = 	snop  }
0x45: {  	[tilespmem:s25], [sflag:$0x1] =	stream.indirect_vreg.gather [hbm4b:s1+s3], $0x80, v3, vm0, $0xb8;
	[tilespmem:$0x10100] =	vst v63  }
0x46: {  	v3 =	vld [tilespmem:$0x40];
	_ =	sdelay $0x4  }
0x47: {  	v36 =	vshll.u32 v3, $0x1  }
0x48: {  	v3 =	vand.u32 $0x7, v3;
	v4 =	vand.u32 $0xFFFFFFF0, v36  }
0x49: {  	v3 =	vor.u32 v3, v4  }
0x4a: {  	v4 =	vperm.xlane v3, v0;
	_ =	sdelay $0x1  }
0x4b: {  	v3 =	vperm.xlane v3, v2;
	v4 =	vadd.s32 v1, v4;
	_ =	sdelay $0x1  }
0x4c: {  	v3 =	vadd.s32 v1, v3;
	_ =	sdelay $0x2  }
0x4d: {  	[tilespmem:s26], [sflag:$0x1] =	stream.indirect_vreg.gather [hbm4b:s1+s3], $0x80, v4, vm0, $0xb8;
	[tilespmem:$0x10100] =	vst v63  }
0x4e: {  	_ = 	snop  }
0x4f: {  	[tilespmem:s28], [sflag:$0x1] =	stream.indirect_vreg.gather [hbm4b:s1+s3], $0x80, v3, vm0, $0xb8;
	[tilespmem:$0x10100] =	vst v63  }
0x50: {  	v3 =	vld [tilespmem:$0x50];
	_ =	sdelay $0x4  }
0x51: {  	v37 =	vshll.u32 v3, $0x1  }
0x52: {  	v3 =	vand.u32 $0x7, v3;
	v4 =	vand.u32 $0xFFFFFFF0, v37  }
0x53: {  	v3 =	vor.u32 v3, v4  }
0x54: {  	v4 =	vperm.xlane v3, v0;
	_ =	sdelay $0x1  }
0x55: {  	v3 =	vperm.xlane v3, v2;
	v4 =	vadd.s32 v1, v4;
	_ =	sdelay $0x1  }
0x56: {  	v3 =	vadd.s32 v1, v3;
	_ =	sdelay $0x2  }
0x57: {  	[tilespmem:s29], [sflag:$0x1] =	stream.indirect_vreg.gather [hbm4b:s1+s3], $0x80, v4, vm0, $0xb8;
	[tilespmem:$0x10100] =	vst v63  }
0x58: {  	_ = 	snop  }
0x59: {  	[tilespmem:s30], [sflag:$0x1] =	stream.indirect_vreg.gather [hbm4b:s1+s3], $0x80, v3, vm0, $0xb8;
	[tilespmem:$0x10100] =	vst v63  }
0x5a: {  	v3 =	vld [tilespmem:$0x60];
	_ =	sdelay $0x4  }
0x5b: {  	v38 =	vshll.u32 v3, $0x1  }
0x5c: {  	v3 =	vand.u32 $0x7, v3;
	v4 =	vand.u32 $0xFFFFFFF0, v38  }
0x5d: {  	v3 =	vor.u32 v3, v4  }
0x5e: {  	v4 =	vperm.xlane v3, v0;
	_ =	sdelay $0x1  }
0x5f: {  	v3 =	vperm.xlane v3, v2;
	v4 =	vadd.s32 v1, v4;
	_ =	sdelay $0x1  }
0x60: {  	v3 =	vadd.s32 v1, v3;
	_ =	sdelay $0x2  }
0x61: {  	[tilespmem:s31], [sflag:$0x1] =	stream.indirect_vreg.gather [hbm4b:s1+s3], $0x80, v4, vm0, $0xb8;
	[tilespmem:$0x10100] =	vst v63  }
0x62: {  	s2 =	simm.s32 $0x6900  }
0x63: {  	[tilespmem:s2], [sflag:$0x1] =	stream.indirect_vreg.gather [hbm4b:s1+s3], $0x80, v3, vm0, $0xb8;
	[tilespmem:$0x10100] =	vst v63  }
0x64: {  	v3 =	vld [tilespmem:$0x70];
	_ =	sdelay $0x4  }
0x65: {  	v39 =	vshll.u32 v3, $0x1  }
0x66: {  	v3 =	vand.u32 $0x7, v3;
	v4 =	vand.u32 $0xFFFFFFF0, v39  }
0x67: {  	v3 =	vor.u32 v3, v4  }
0x68: {  	v4 =	vperm.xlane v3, v0;
	_ =	sdelay $0x1  }
0x69: {  	v3 =	vperm.xlane v3, v2;
	v4 =	vadd.s32 v1, v4;
	_ =	sdelay $0x1  }
0x6a: {  	v3 =	vadd.s32 v1, v3;
	_ =	sdelay $0x2  }
0x6b: {  	[tilespmem:s6], [sflag:$0x1] =	stream.indirect_vreg.gather [hbm4b:s1+s3], $0x80, v4, vm0, $0xb8;
	[tilespmem:$0x10100] =	vst v63  }
0x6c: {  	_ = 	snop  }
0x6d: {  	[tilespmem:s7], [sflag:$0x1] =	stream.indirect_vreg.gather [hbm4b:s1+s3], $0x80, v3, vm0, $0xb8;
	[tilespmem:$0x10100] =	vst v63  }
0x6e: {  	s13 =	simm.s32 $0x80;
	s0 =	rddreg [dreg:$0x5]  }
0x6f: {  	[tilespmem:s13], [sflag:$0x5] =	stream.linear.gather [hbm4b:s0+s3], $0x80, $0x38;
	[tilespmem:$0x10100] =	vst v63  }
0x70: {  	_ =	swait.ge [sflag:s5], $0x80  }
0x71: {  	[sflag:s5] =	ssyncset.done $0x0  }
0x72: {  	[sflag:s5] =	ssyncadd.s32 $0xFFFFFF80  }
0x73: {  	v3 =	vld [tilespmem:$0x80];
	_ =	sdelay $0x4  }
0x74: {  	v40 =	vshll.u32 v3, $0x1  }
0x75: {  	v3 =	vand.u32 $0x7, v3;
	v4 =	vand.u32 $0xFFFFFFF0, v40  }
0x76: {  	v3 =	vor.u32 v3, v4  }
0x77: {  	v4 =	vperm.xlane v3, v0;
	_ =	sdelay $0x1  }
0x78: {  	v3 =	vperm.xlane v3, v2;
	v4 =	vadd.s32 v1, v4;
	_ =	sdelay $0x1  }
0x79: {  	v3 =	vadd.s32 v1, v3;
	_ =	sdelay $0x1  }
0x7a: {  	s0 =	simm.s32 $0x8100  }
0x7b: {  	[tilespmem:s0], [sflag:$0x2] =	stream.indirect_vreg.gather [hbm4b:s1+s3], $0x80, v4, vm0, $0xb8;
	[tilespmem:$0x10100] =	vst v63  }
0x7c: {  	_ = 	snop  }
0x7d: {  	[tilespmem:s9], [sflag:$0x2] =	stream.indirect_vreg.gather [hbm4b:s1+s3], $0x80, v3, vm0, $0xb8;
	[tilespmem:$0x10100] =	vst v63  }
0x7e: {  	v3 =	vld [tilespmem:$0x90];
	_ =	sdelay $0x4  }
0x7f: {  	v41 =	vshll.u32 v3, $0x1  }
0x80: {  	v3 =	vand.u32 $0x7, v3;
	v4 =	vand.u32 $0xFFFFFFF0, v41  }
0x81: {  	v3 =	vor.u32 v3, v4  }
0x82: {  	v4 =	vperm.xlane v3, v0;
	_ =	sdelay $0x1  }
0x83: {  	v3 =	vperm.xlane v3, v2;
	v4 =	vadd.s32 v1, v4;
	_ =	sdelay $0x1  }
0x84: {  	v3 =	vadd.s32 v1, v3;
	_ =	sdelay $0x2  }
0x85: {  	[tilespmem:s10], [sflag:$0x2] =	stream.indirect_vreg.gather [hbm4b:s1+s3], $0x80, v4, vm0, $0xb8;
	[tilespmem:$0x10100] =	vst v63  }
0x86: {  	_ = 	snop  }
0x87: {  	[tilespmem:s11], [sflag:$0x2] =	stream.indirect_vreg.gather [hbm4b:s1+s3], $0x80, v3, vm0, $0xb8;
	[tilespmem:$0x10100] =	vst v63  }
0x88: {  	v3 =	vld [tilespmem:$0xA0];
	_ =	sdelay $0x4  }
0x89: {  	v42 =	vshll.u32 v3, $0x1  }
0x8a: {  	v3 =	vand.u32 $0x7, v3;
	v4 =	vand.u32 $0xFFFFFFF0, v42  }
0x8b: {  	v3 =	vor.u32 v3, v4  }
0x8c: {  	v4 =	vperm.xlane v3, v0;
	_ =	sdelay $0x1  }
0x8d: {  	v3 =	vperm.xlane v3, v2;
	v4 =	vadd.s32 v1, v4;
	_ =	sdelay $0x1  }
0x8e: {  	v3 =	vadd.s32 v1, v3;
	_ =	sdelay $0x2  }
0x8f: {  	[tilespmem:s12], [sflag:$0x2] =	stream.indirect_vreg.gather [hbm4b:s1+s3], $0x80, v4, vm0, $0xb8;
	[tilespmem:$0x10100] =	vst v63  }
0x90: {  	_ = 	snop  }
0x91: {  	[tilespmem:s23], [sflag:$0x2] =	stream.indirect_vreg.gather [hbm4b:s1+s3], $0x80, v3, vm0, $0xb8;
	[tilespmem:$0x10100] =	vst v63  }
0x92: {  	v3 =	vld [tilespmem:$0xB0];
	_ =	sdelay $0x4  }
0x93: {  	v43 =	vshll.u32 v3, $0x1  }
0x94: {  	v3 =	vand.u32 $0x7, v3;
	v4 =	vand.u32 $0xFFFFFFF0, v43  }
0x95: {  	v3 =	vor.u32 v3, v4  }
0x96: {  	v4 =	vperm.xlane v3, v0;
	_ =	sdelay $0x1  }
0x97: {  	v3 =	vperm.xlane v3, v2;
	v4 =	vadd.s32 v1, v4;
	_ =	sdelay $0x1  }
0x98: {  	v3 =	vadd.s32 v1, v3;
	_ =	sdelay $0x1  }
0x99: {  	s13 =	simm.s32 $0xB100  }
0x9a: {  	[tilespmem:s13], [sflag:$0x2] =	stream.indirect_vreg.gather [hbm4b:s1+s3], $0x80, v4, vm0, $0xb8;
	[tilespmem:$0x10100] =	vst v63  }
0x9b: {  	s17 =	simm.s32 $0xB900  }
0x9c: {  	[tilespmem:s17], [sflag:$0x2] =	stream.indirect_vreg.gather [hbm4b:s1+s3], $0x80, v3, vm0, $0xb8;
	[tilespmem:$0x10100] =	vst v63  }
0x9d: {  	v3 =	vld [tilespmem:$0xC0];
	_ =	sdelay $0x4  }
0x9e: {  	v44 =	vshll.u32 v3, $0x1  }
0x9f: {  	v3 =	vand.u32 $0x7, v3;
	v4 =	vand.u32 $0xFFFFFFF0, v44  }
0xa0: {  	v3 =	vor.u32 v3, v4  }
0xa1: {  	v4 =	vperm.xlane v3, v0;
	_ =	sdelay $0x1  }
0xa2: {  	v3 =	vperm.xlane v3, v2;
	v4 =	vadd.s32 v1, v4;
	_ =	sdelay $0x1  }
0xa3: {  	v3 =	vadd.s32 v1, v3;
	_ =	sdelay $0x1  }
0xa4: {  	s17 =	simm.s32 $0xC100  }
0xa5: {  	[tilespmem:s17], [sflag:$0x2] =	stream.indirect_vreg.gather [hbm4b:s1+s3], $0x80, v4, vm0, $0xb8;
	[tilespmem:$0x10100] =	vst v63  }
0xa6: {  	s17 =	simm.s32 $0xC900  }
0xa7: {  	[tilespmem:s17], [sflag:$0x2] =	stream.indirect_vreg.gather [hbm4b:s1+s3], $0x80, v3, vm0, $0xb8;
	[tilespmem:$0x10100] =	vst v63  }
0xa8: {  	v3 =	vld [tilespmem:$0xD0];
	_ =	sdelay $0x4  }
0xa9: {  	v45 =	vshll.u32 v3, $0x1  }
0xaa: {  	v3 =	vand.u32 $0x7, v3;
	v4 =	vand.u32 $0xFFFFFFF0, v45  }
0xab: {  	v3 =	vor.u32 v3, v4  }
0xac: {  	v4 =	vperm.xlane v3, v0;
	_ =	sdelay $0x1  }
0xad: {  	v3 =	vperm.xlane v3, v2;
	v4 =	vadd.s32 v1, v4;
	_ =	sdelay $0x1  }
0xae: {  	v3 =	vadd.s32 v1, v3;
	_ =	sdelay $0x1  }
0xaf: {  	s17 =	simm.s32 $0xD100  }
0xb0: {  	[tilespmem:s17], [sflag:$0x2] =	stream.indirect_vreg.gather [hbm4b:s1+s3], $0x80, v4, vm0, $0xb8;
	[tilespmem:$0x10100] =	vst v63  }
0xb1: {  	s17 =	simm.s32 $0xD900  }
0xb2: {  	[tilespmem:s17], [sflag:$0x2] =	stream.indirect_vreg.gather [hbm4b:s1+s3], $0x80, v3, vm0, $0xb8;
	[tilespmem:$0x10100] =	vst v63  }
0xb3: {  	v3 =	vld [tilespmem:$0xE0];
	_ =	sdelay $0x4  }
0xb4: {  	v46 =	vshll.u32 v3, $0x1  }
0xb5: {  	v3 =	vand.u32 $0x7, v3;
	v4 =	vand.u32 $0xFFFFFFF0, v46  }
0xb6: {  	v3 =	vor.u32 v3, v4  }
0xb7: {  	v4 =	vperm.xlane v3, v0;
	_ =	sdelay $0x1  }
0xb8: {  	v3 =	vperm.xlane v3, v2;
	v4 =	vadd.s32 v1, v4;
	_ =	sdelay $0x1  }
0xb9: {  	v3 =	vadd.s32 v1, v3;
	_ =	sdelay $0x1  }
0xba: {  	s17 =	simm.s32 $0xE100  }
0xbb: {  	[tilespmem:s17], [sflag:$0x2] =	stream.indirect_vreg.gather [hbm4b:s1+s3], $0x80, v4, vm0, $0xb8;
	[tilespmem:$0x10100] =	vst v63  }
0xbc: {  	s17 =	simm.s32 $0xE900  }
0xbd: {  	[tilespmem:s17], [sflag:$0x2] =	stream.indirect_vreg.gather [hbm4b:s1+s3], $0x80, v3, vm0, $0xb8;
	[tilespmem:$0x10100] =	vst v63  }
0xbe: {  	v3 =	vld [tilespmem:$0xF0];
	_ =	sdelay $0x4  }
0xbf: {  	v47 =	vshll.u32 v3, $0x1  }
0xc0: {  	v3 =	vand.u32 $0x7, v3;
	v4 =	vand.u32 $0xFFFFFFF0, v47  }
0xc1: {  	v3 =	vor.u32 v3, v4  }
0xc2: {  	v4 =	vperm.xlane v3, v0;
	_ =	sdelay $0x1  }
0xc3: {  	v3 =	vperm.xlane v3, v2;
	v4 =	vadd.s32 v1, v4;
	_ =	sdelay $0x1  }
0xc4: {  	v3 =	vadd.s32 v1, v3;
	_ =	sdelay $0x1  }
0xc5: {  	s17 =	simm.s32 $0xF100  }
0xc6: {  	[tilespmem:s17], [sflag:$0x2] =	stream.indirect_vreg.gather [hbm4b:s1+s3], $0x80, v4, vm0, $0xb8;
	[tilespmem:$0x10100] =	vst v63  }
0xc7: {  	s17 =	simm.s32 $0xF900  }
0xc8: {  	[tilespmem:s17], [sflag:$0x2] =	stream.indirect_vreg.gather [hbm4b:s1+s3], $0x80, v3, vm0, $0xb8;
	[tilespmem:$0x10100] =	vst v63  }
0xc9: {  	_ =	swait.ge [sflag:s8], $0x8000  }
0xca: {  	[sflag:s8] =	ssyncset.done $0x0  }
0xcb: {  	s13 =	simm.s32 $0x100;
	s17 =	rddreg [dreg:$0x6];
	[sflag:s8] =	ssyncadd.s32 $0xFFFF8000  }
0xcc: {  	[hbm4b:s17+s3] =	stream.linear.scatter [tilespmem:s13], [sflag:$0x3], $0x8000, $0x38;
	[tilespmem:$0x10100] =	vst v63  }
0xcd: {  	_ =	swait.ge [sflag:s14], $0x8000  }
0xce: {  	[sflag:s14] =	ssyncset.done $0x0  }
0xcf: {  	s17 =	rddreg [dreg:$0x7];
	[sflag:s14] =	ssyncadd.s32 $0xFFFF8000  }
0xd0: {  	[tilespmem:s3], [sflag:$0x5] =	stream.linear.gather [hbm4b:s17+s3], $0x80, $0x38;
	[tilespmem:$0x10100] =	vst v63  }
0xd1: {  	_ =	swait.ge [sflag:s5], $0x80  }
0xd2: {  	[sflag:s5] =	ssyncset.done $0x0  }
0xd3: {  	[sflag:s5] =	ssyncadd.s32 $0xFFFFFF80  }
0xd4: {  	v3 =	vld [tilespmem:$0x0];
	_ =	sdelay $0x4  }
0xd5: {  	v48 =	vshll.u32 v3, $0x1  }
0xd6: {  	v3 =	vand.u32 $0x7, v3;
	v4 =	vand.u32 $0xFFFFFFF0, v48  }
0xd7: {  	v3 =	vor.u32 v3, v4  }
0xd8: {  	v4 =	vperm.xlane v3, v0;
	_ =	sdelay $0x1  }
0xd9: {  	v3 =	vperm.xlane v3, v2;
	v4 =	vadd.s32 v1, v4;
	_ =	sdelay $0x1  }
0xda: {  	v3 =	vadd.s32 v1, v3;
	_ =	sdelay $0x2  }
0xdb: {  	[tilespmem:s13], [sflag:$0x1] =	stream.indirect_vreg.gather [hbm4b:s1+s3], $0x80, v4, vm0, $0xb8;
	[tilespmem:$0x10100] =	vst v63  }
0xdc: {  	_ = 	snop  }
0xdd: {  	[tilespmem:s18], [sflag:$0x1] =	stream.indirect_vreg.gather [hbm4b:s1+s3], $0x80, v3, vm0, $0xb8;
	[tilespmem:$0x10100] =	vst v63  }
0xde: {  	v3 =	vld [tilespmem:$0x10];
	_ =	sdelay $0x4  }
0xdf: {  	v49 =	vshll.u32 v3, $0x1  }
0xe0: {  	v3 =	vand.u32 $0x7, v3;
	v4 =	vand.u32 $0xFFFFFFF0, v49  }
0xe1: {  	v3 =	vor.u32 v3, v4  }
0xe2: {  	v4 =	vperm.xlane v3, v0;
	_ =	sdelay $0x1  }
0xe3: {  	v3 =	vperm.xlane v3, v2;
	v4 =	vadd.s32 v1, v4;
	_ =	sdelay $0x1  }
0xe4: {  	v3 =	vadd.s32 v1, v3;
	_ =	sdelay $0x2  }
0xe5: {  	[tilespmem:s19], [sflag:$0x1] =	stream.indirect_vreg.gather [hbm4b:s1+s3], $0x80, v4, vm0, $0xb8;
	[tilespmem:$0x10100] =	vst v63  }
0xe6: {  	_ = 	snop  }
0xe7: {  	[tilespmem:s20], [sflag:$0x1] =	stream.indirect_vreg.gather [hbm4b:s1+s3], $0x80, v3, vm0, $0xb8;
	[tilespmem:$0x10100] =	vst v63  }
0xe8: {  	v3 =	vld [tilespmem:$0x20];
	_ =	sdelay $0x4  }
0xe9: {  	v50 =	vshll.u32 v3, $0x1  }
0xea: {  	v3 =	vand.u32 $0x7, v3;
	v4 =	vand.u32 $0xFFFFFFF0, v50  }
0xeb: {  	v3 =	vor.u32 v3, v4  }
0xec: {  	v4 =	vperm.xlane v3, v0;
	_ =	sdelay $0x1  }
0xed: {  	v3 =	vperm.xlane v3, v2;
	v4 =	vadd.s32 v1, v4;
	_ =	sdelay $0x1  }
0xee: {  	v3 =	vadd.s32 v1, v3;
	_ =	sdelay $0x2  }
0xef: {  	[tilespmem:s21], [sflag:$0x1] =	stream.indirect_vreg.gather [hbm4b:s1+s3], $0x80, v4, vm0, $0xb8;
	[tilespmem:$0x10100] =	vst v63  }
0xf0: {  	_ = 	snop  }
0xf1: {  	[tilespmem:s22], [sflag:$0x1] =	stream.indirect_vreg.gather [hbm4b:s1+s3], $0x80, v3, vm0, $0xb8;
	[tilespmem:$0x10100] =	vst v63  }
0xf2: {  	v3 =	vld [tilespmem:$0x30];
	_ =	sdelay $0x4  }
0xf3: {  	v51 =	vshll.u32 v3, $0x1  }
0xf4: {  	v3 =	vand.u32 $0x7, v3;
	v4 =	vand.u32 $0xFFFFFFF0, v51  }
0xf5: {  	v3 =	vor.u32 v3, v4  }
0xf6: {  	v4 =	vperm.xlane v3, v0;
	_ =	sdelay $0x1  }
0xf7: {  	v3 =	vperm.xlane v3, v2;
	v4 =	vadd.s32 v1, v4;
	_ =	sdelay $0x1  }
0xf8: {  	v3 =	vadd.s32 v1, v3;
	_ =	sdelay $0x2  }
0xf9: {  	[tilespmem:s24], [sflag:$0x1] =	stream.indirect_vreg.gather [hbm4b:s1+s3], $0x80, v4, vm0, $0xb8;
	[tilespmem:$0x10100] =	vst v63  }
0xfa: {  	_ = 	snop  }
0xfb: {  	[tilespmem:s25], [sflag:$0x1] =	stream.indirect_vreg.gather [hbm4b:s1+s3], $0x80, v3, vm0, $0xb8;
	[tilespmem:$0x10100] =	vst v63  }
0xfc: {  	v3 =	vld [tilespmem:$0x40];
	_ =	sdelay $0x4  }
0xfd: {  	v52 =	vshll.u32 v3, $0x1  }
0xfe: {  	v3 =	vand.u32 $0x7, v3;
	v4 =	vand.u32 $0xFFFFFFF0, v52  }
0xff: {  	v3 =	vor.u32 v3, v4  }
0x100: {  	v4 =	vperm.xlane v3, v0;
	_ =	sdelay $0x1  }
0x101: {  	v3 =	vperm.xlane v3, v2;
	v4 =	vadd.s32 v1, v4;
	_ =	sdelay $0x1  }
0x102: {  	v3 =	vadd.s32 v1, v3;
	_ =	sdelay $0x2  }
0x103: {  	[tilespmem:s26], [sflag:$0x1] =	stream.indirect_vreg.gather [hbm4b:s1+s3], $0x80, v4, vm0, $0xb8;
	[tilespmem:$0x10100] =	vst v63  }
0x104: {  	_ = 	snop  }
0x105: {  	[tilespmem:s28], [sflag:$0x1] =	stream.indirect_vreg.gather [hbm4b:s1+s3], $0x80, v3, vm0, $0xb8;
	[tilespmem:$0x10100] =	vst v63  }
0x106: {  	v3 =	vld [tilespmem:$0x50];
	_ =	sdelay $0x4  }
0x107: {  	v53 =	vshll.u32 v3, $0x1  }
0x108: {  	v3 =	vand.u32 $0x7, v3;
	v4 =	vand.u32 $0xFFFFFFF0, v53  }
0x109: {  	v3 =	vor.u32 v3, v4  }
0x10a: {  	v4 =	vperm.xlane v3, v0;
	_ =	sdelay $0x1  }
0x10b: {  	v3 =	vperm.xlane v3, v2;
	v4 =	vadd.s32 v1, v4;
	_ =	sdelay $0x1  }
0x10c: {  	v3 =	vadd.s32 v1, v3;
	_ =	sdelay $0x2  }
0x10d: {  	[tilespmem:s29], [sflag:$0x1] =	stream.indirect_vreg.gather [hbm4b:s1+s3], $0x80, v4, vm0, $0xb8;
	[tilespmem:$0x10100] =	vst v63  }
0x10e: {  	_ = 	snop  }
0x10f: {  	[tilespmem:s30], [sflag:$0x1] =	stream.indirect_vreg.gather [hbm4b:s1+s3], $0x80, v3, vm0, $0xb8;
	[tilespmem:$0x10100] =	vst v63  }
0x110: {  	v3 =	vld [tilespmem:$0x60];
	_ =	sdelay $0x4  }
0x111: {  	v54 =	vshll.u32 v3, $0x1  }
0x112: {  	v3 =	vand.u32 $0x7, v3;
	v4 =	vand.u32 $0xFFFFFFF0, v54  }
0x113: {  	v3 =	vor.u32 v3, v4  }
0x114: {  	v4 =	vperm.xlane v3, v0;
	_ =	sdelay $0x1  }
0x115: {  	v3 =	vperm.xlane v3, v2;
	v4 =	vadd.s32 v1, v4;
	_ =	sdelay $0x1  }
0x116: {  	v3 =	vadd.s32 v1, v3;
	_ =	sdelay $0x2  }
0x117: {  	[tilespmem:s31], [sflag:$0x1] =	stream.indirect_vreg.gather [hbm4b:s1+s3], $0x80, v4, vm0, $0xb8;
	[tilespmem:$0x10100] =	vst v63  }
0x118: {  	_ = 	snop  }
0x119: {  	[tilespmem:s2], [sflag:$0x1] =	stream.indirect_vreg.gather [hbm4b:s1+s3], $0x80, v3, vm0, $0xb8;
	[tilespmem:$0x10100] =	vst v63  }
0x11a: {  	v3 =	vld [tilespmem:$0x70];
	_ =	sdelay $0x4  }
0x11b: {  	v55 =	vshll.u32 v3, $0x1  }
0x11c: {  	v3 =	vand.u32 $0x7, v3;
	v4 =	vand.u32 $0xFFFFFFF0, v55  }
0x11d: {  	v3 =	vor.u32 v3, v4  }
0x11e: {  	v4 =	vperm.xlane v3, v0;
	_ =	sdelay $0x1  }
0x11f: {  	v3 =	vperm.xlane v3, v2;
	v4 =	vadd.s32 v1, v4;
	_ =	sdelay $0x1  }
0x120: {  	v3 =	vadd.s32 v1, v3;
	_ =	sdelay $0x2  }
0x121: {  	[tilespmem:s6], [sflag:$0x1] =	stream.indirect_vreg.gather [hbm4b:s1+s3], $0x80, v4, vm0, $0xb8;
	[tilespmem:$0x10100] =	vst v63  }
0x122: {  	_ = 	snop  }
0x123: {  	[tilespmem:s7], [sflag:$0x1] =	stream.indirect_vreg.gather [hbm4b:s1+s3], $0x80, v3, vm0, $0xb8;
	[tilespmem:$0x10100] =	vst v63  }
0x124: {  	_ =	swait.ge [sflag:s15], $0x8000  }
0x125: {  	[sflag:s15] =	ssyncset.done $0x0  }
0x126: {  	s2 =	rddreg [dreg:$0x8];
	[sflag:s15] =	ssyncadd.s32 $0xFFFF8000  }
0x127: {  	[hbm4b:s2+s3] =	stream.linear.scatter [tilespmem:s0], [sflag:$0x4], $0x8000, $0x38;
	[tilespmem:$0x10100] =	vst v63  }
0x128: {  	_ =	swait.ge [sflag:s16], $0x8000  }
0x129: {  	[sflag:s16] =	ssyncset.done $0x0  }
0x12a: {  	s2 =	simm.s32 $0x80;
	s17 =	rddreg [dreg:$0x9];
	[sflag:s16] =	ssyncadd.s32 $0xFFFF8000  }
0x12b: {  	[tilespmem:s2], [sflag:$0x5] =	stream.linear.gather [hbm4b:s17+s3], $0x80, $0x38;
	[tilespmem:$0x10100] =	vst v63  }
0x12c: {  	_ =	swait.ge [sflag:s5], $0x80  }
0x12d: {  	[sflag:s5] =	ssyncset.done $0x0  }
0x12e: {  	[sflag:s5] =	ssyncadd.s32 $0xFFFFFF80  }
0x12f: {  	v3 =	vld [tilespmem:$0x80];
	_ =	sdelay $0x4  }
0x130: {  	v56 =	vshll.u32 v3, $0x1  }
0x131: {  	v3 =	vand.u32 $0x7, v3;
	v4 =	vand.u32 $0xFFFFFFF0, v56  }
0x132: {  	v3 =	vor.u32 v3, v4  }
0x133: {  	v4 =	vperm.xlane v3, v0;
	_ =	sdelay $0x1  }
0x134: {  	v3 =	vperm.xlane v3, v2;
	v4 =	vadd.s32 v1, v4;
	_ =	sdelay $0x1  }
0x135: {  	v3 =	vadd.s32 v1, v3;
	_ =	sdelay $0x2  }
0x136: {  	[tilespmem:s0], [sflag:$0x2] =	stream.indirect_vreg.gather [hbm4b:s1+s3], $0x80, v4, vm0, $0xb8;
	[tilespmem:$0x10100] =	vst v63  }
0x137: {  	_ = 	snop  }
0x138: {  	[tilespmem:s9], [sflag:$0x2] =	stream.indirect_vreg.gather [hbm4b:s1+s3], $0x80, v3, vm0, $0xb8;
	[tilespmem:$0x10100] =	vst v63  }
0x139: {  	v3 =	vld [tilespmem:$0x90];
	_ =	sdelay $0x4  }
0x13a: {  	v57 =	vshll.u32 v3, $0x1  }
0x13b: {  	v3 =	vand.u32 $0x7, v3;
	v4 =	vand.u32 $0xFFFFFFF0, v57  }
0x13c: {  	v3 =	vor.u32 v3, v4  }
0x13d: {  	v4 =	vperm.xlane v3, v0;
	_ =	sdelay $0x1  }
0x13e: {  	v3 =	vperm.xlane v3, v2;
	v4 =	vadd.s32 v1, v4;
	_ =	sdelay $0x1  }
0x13f: {  	v3 =	vadd.s32 v1, v3;
	_ =	sdelay $0x2  }
0x140: {  	[tilespmem:s10], [sflag:$0x2] =	stream.indirect_vreg.gather [hbm4b:s1+s3], $0x80, v4, vm0, $0xb8;
	[tilespmem:$0x10100] =	vst v63  }
0x141: {  	_ = 	snop  }
0x142: {  	[tilespmem:s11], [sflag:$0x2] =	stream.indirect_vreg.gather [hbm4b:s1+s3], $0x80, v3, vm0, $0xb8;
	[tilespmem:$0x10100] =	vst v63  }
0x143: {  	v3 =	vld [tilespmem:$0xA0];
	_ =	sdelay $0x4  }
0x144: {  	v58 =	vshll.u32 v3, $0x1  }
0x145: {  	v3 =	vand.u32 $0x7, v3;
	v4 =	vand.u32 $0xFFFFFFF0, v58  }
0x146: {  	v3 =	vor.u32 v3, v4  }
0x147: {  	v4 =	vperm.xlane v3, v0;
	_ =	sdelay $0x1  }
0x148: {  	v3 =	vperm.xlane v3, v2;
	v4 =	vadd.s32 v1, v4;
	_ =	sdelay $0x1  }
0x149: {  	v3 =	vadd.s32 v1, v3;
	_ =	sdelay $0x2  }
0x14a: {  	[tilespmem:s12], [sflag:$0x2] =	stream.indirect_vreg.gather [hbm4b:s1+s3], $0x80, v4, vm0, $0xb8;
	[tilespmem:$0x10100] =	vst v63  }
0x14b: {  	_ = 	snop  }
0x14c: {  	[tilespmem:s23], [sflag:$0x2] =	stream.indirect_vreg.gather [hbm4b:s1+s3], $0x80, v3, vm0, $0xb8;
	[tilespmem:$0x10100] =	vst v63  }
0x14d: {  	v3 =	vld [tilespmem:$0xB0];
	_ =	sdelay $0x4  }
0x14e: {  	v59 =	vshll.u32 v3, $0x1  }
0x14f: {  	v3 =	vand.u32 $0x7, v3;
	v4 =	vand.u32 $0xFFFFFFF0, v59  }
0x150: {  	v3 =	vor.u32 v3, v4  }
0x151: {  	v4 =	vperm.xlane v3, v0;
	_ =	sdelay $0x1  }
0x152: {  	v3 =	vperm.xlane v3, v2;
	v4 =	vadd.s32 v1, v4;
	_ =	sdelay $0x1  }
0x153: {  	v3 =	vadd.s32 v1, v3;
	_ =	sdelay $0x1  }
0x154: {  	s17 =	simm.s32 $0xB100  }
0x155: {  	[tilespmem:s17], [sflag:$0x2] =	stream.indirect_vreg.gather [hbm4b:s1+s3], $0x80, v4, vm0, $0xb8;
	[tilespmem:$0x10100] =	vst v63  }
0x156: {  	s17 =	simm.s32 $0xB900  }
0x157: {  	[tilespmem:s17], [sflag:$0x2] =	stream.indirect_vreg.gather [hbm4b:s1+s3], $0x80, v3, vm0, $0xb8;
	[tilespmem:$0x10100] =	vst v63  }
0x158: {  	v3 =	vld [tilespmem:$0xC0];
	_ =	sdelay $0x4  }
0x159: {  	v60 =	vshll.u32 v3, $0x1  }
0x15a: {  	v3 =	vand.u32 $0x7, v3;
	v4 =	vand.u32 $0xFFFFFFF0, v60  }
0x15b: {  	v3 =	vor.u32 v3, v4  }
0x15c: {  	v4 =	vperm.xlane v3, v0;
	_ =	sdelay $0x1  }
0x15d: {  	v3 =	vperm.xlane v3, v2;
	v4 =	vadd.s32 v1, v4;
	_ =	sdelay $0x1  }
0x15e: {  	v3 =	vadd.s32 v1, v3;
	_ =	sdelay $0x1  }
0x15f: {  	s17 =	simm.s32 $0xC100  }
0x160: {  	[tilespmem:s17], [sflag:$0x2] =	stream.indirect_vreg.gather [hbm4b:s1+s3], $0x80, v4, vm0, $0xb8;
	[tilespmem:$0x10100] =	vst v63  }
0x161: {  	s17 =	simm.s32 $0xC900  }
0x162: {  	[tilespmem:s17], [sflag:$0x2] =	stream.indirect_vreg.gather [hbm4b:s1+s3], $0x80, v3, vm0, $0xb8;
	[tilespmem:$0x10100] =	vst v63  }
0x163: {  	v3 =	vld [tilespmem:$0xD0];
	_ =	sdelay $0x4  }
0x164: {  	v61 =	vshll.u32 v3, $0x1  }
0x165: {  	v3 =	vand.u32 $0x7, v3;
	v4 =	vand.u32 $0xFFFFFFF0, v61  }
0x166: {  	v3 =	vor.u32 v3, v4  }
0x167: {  	v4 =	vperm.xlane v3, v0;
	_ =	sdelay $0x1  }
0x168: {  	v3 =	vperm.xlane v3, v2;
	v4 =	vadd.s32 v1, v4;
	_ =	sdelay $0x1  }
0x169: {  	v3 =	vadd.s32 v1, v3;
	_ =	sdelay $0x1  }
0x16a: {  	s17 =	simm.s32 $0xD100  }
0x16b: {  	[tilespmem:s17], [sflag:$0x2] =	stream.indirect_vreg.gather [hbm4b:s1+s3], $0x80, v4, vm0, $0xb8;
	[tilespmem:$0x10100] =	vst v63  }
0x16c: {  	s17 =	simm.s32 $0xD900  }
0x16d: {  	[tilespmem:s17], [sflag:$0x2] =	stream.indirect_vreg.gather [hbm4b:s1+s3], $0x80, v3, vm0, $0xb8;
	[tilespmem:$0x10100] =	vst v63  }
0x16e: {  	v3 =	vld [tilespmem:$0xE0];
	_ =	sdelay $0x4  }
0x16f: {  	v62 =	vshll.u32 v3, $0x1  }
0x170: {  	v3 =	vand.u32 $0x7, v3;
	v4 =	vand.u32 $0xFFFFFFF0, v62  }
0x171: {  	v3 =	vor.u32 v3, v4  }
0x172: {  	v4 =	vperm.xlane v3, v0;
	_ =	sdelay $0x1  }
0x173: {  	v3 =	vperm.xlane v3, v2;
	v4 =	vadd.s32 v1, v4;
	_ =	sdelay $0x1  }
0x174: {  	v3 =	vadd.s32 v1, v3;
	_ =	sdelay $0x1  }
0x175: {  	s17 =	simm.s32 $0xE100  }
0x176: {  	[tilespmem:s17], [sflag:$0x2] =	stream.indirect_vreg.gather [hbm4b:s1+s3], $0x80, v4, vm0, $0xb8;
	[tilespmem:$0x10100] =	vst v63  }
0x177: {  	s17 =	simm.s32 $0xE900  }
0x178: {  	[tilespmem:s17], [sflag:$0x2] =	stream.indirect_vreg.gather [hbm4b:s1+s3], $0x80, v3, vm0, $0xb8;
	[tilespmem:$0x10100] =	vst v63  }
0x179: {  	v3 =	vld [tilespmem:$0xF0];
	_ =	sdelay $0x4  }
0x17a: {  	v63 =	vshll.u32 v3, $0x1  }
0x17b: {  	v3 =	vand.u32 $0x7, v3;
	v4 =	vand.u32 $0xFFFFFFF0, v63  }
0x17c: {  	v3 =	vor.u32 v3, v4  }
0x17d: {  	v4 =	vperm.xlane v3, v0;
	_ =	sdelay $0x1  }
0x17e: {  	v3 =	vperm.xlane v3, v2;
	v4 =	vadd.s32 v1, v4;
	_ =	sdelay $0x1  }
0x17f: {  	v3 =	vadd.s32 v1, v3;
	_ =	sdelay $0x1  }
0x180: {  	s17 =	simm.s32 $0xF100  }
0x181: {  	[tilespmem:s17], [sflag:$0x2] =	stream.indirect_vreg.gather [hbm4b:s1+s3], $0x80, v4, vm0, $0xb8;
	[tilespmem:$0x10100] =	vst v63  }
0x182: {  	s17 =	simm.s32 $0xF900  }
0x183: {  	[tilespmem:s17], [sflag:$0x2] =	stream.indirect_vreg.gather [hbm4b:s1+s3], $0x80, v3, vm0, $0xb8;
	[tilespmem:$0x10100] =	vst v63  }
0x184: {  	_ =	swait.ge [sflag:s8], $0x8000  }
0x185: {  	[sflag:s8] =	ssyncset.done $0x0  }
0x186: {  	s13 =	simm.s32 $0x100;
	s2 =	rddreg [dreg:$0xa];
	[sflag:s8] =	ssyncadd.s32 $0xFFFF8000  }
0x187: {  	[hbm4b:s2+s3] =	stream.linear.scatter [tilespmem:s13], [sflag:$0x3], $0x8000, $0x38;
	[tilespmem:$0x10100] =	vst v63  }
0x188: {  	_ =	swait.ge [sflag:s15], $0x8000  }
0x189: {  	[sflag:s15] =	ssyncset.done $0x0  }
0x18a: {  	s13 =	rddreg [dreg:$0xb];
	[sflag:s15] =	ssyncadd.s32 $0xFFFF8000  }
0x18b: {  	[hbm4b:s13+s3] =	stream.linear.scatter [tilespmem:s0], [sflag:$0x4], $0x8000, $0x38;
	[tilespmem:$0x10100] =	vst v63  }
0x18c: {  	p0 =	sne.s32 s4, $0x1;
	_ =	swait.ge [sflag:s14], $0x8000  }
.Ltmp0:
0x18d: {  	[sflag:s14] =	ssyncset.done $0x0;
	(pc) =	sbr.rel @p0 .LBB2_1-.Ltmp0, $4  }
0x18e: {  	[sflag:s14] =	ssyncadd.s32 $0xFFFF8000  }
0x18f: {  	_ =	swait.ge [sflag:s16], $0x8000  }
0x190: {  	[sflag:s16] =	ssyncset.done $0x0  }
0x191: {  	s4 =	sadd.s32 $0xFFFFFFFF, s4;
	[sflag:s16] =	ssyncadd.s32 $0xFFFF8000  }
0x192: {  	_ =	sfence.sel $0x180000  }
0x193: {  	[bflag:$0x0] =	sbarrier.arrive $0xFFFF  }
0x194: {  	_ =	strace $0x90000047  }
0x195: {  	s0 =	stileid.u32;
	[bflag:$0x2] =	sbarrier.arrive $0xFFFF  }
0x196: {  	p0 =	sne.s32 s0, $0x0;
	s0 =	rddreg [dreg:$0x3]  }
0x197: {  	s0 =	sadd.s32 @!p0 $0x100000, s0  }
0x198: {  	[sflag:s0] =	ssyncadd.tile.s32 @!p0 $0x1;
	_ =	shalt  }
.Lfunc_end2:
_tile_overlayer_lowered:
.L_overlay_start_2:
0x199: {  	(tag) =	ssettag $0x2  }
0x19a: {  	s0 =	rddreg [dreg:$0x0];
	s2 =	stileid.u32  }
0x19b: {  	s1 =	rddreg [dreg:$0x1];
	p0 =	sne.s32 s2, $0x0  }
0x19c: {  	s3 =	rddreg [dreg:$0x2];
	[bflag:$0x3] =	sbarrier.arrive $0xFFFF;
	s2 =	simm.s32 @!p0 $0x1C05  }
0x19d: {  	[timem:s3], [sflag:s2] =	dma.local @!p0 [hbm:s0], s1  }
0x19e: {  	s0 =	simm.s32 @!p0 $0x5  }
0x19f: {  	_ =	swait.ge @!p0 [sflag:s0], s1  }
0x1a0: {  	s1 =	ssub.s32 @!p0 $0x0, s1;
	[sflag:s0] =	ssyncset.done @!p0 $0x0  }
0x1a1: {  	[sflag:s0] =	ssyncadd.s32 @!p0 s1  }
0x1a2: {  	[bflag:$0x3] =	sbarrier.arrive $0xFFFF  }
0x1a3: {  	_ =	shalt  }

</sc_bundles>
